<compile_context>
chip_gen: v7x
topology: tpu7x:2x2x1
jax: 0.10.2.dev20260603
libtpu: 0.0.44.dev20260713+nightly
codegen_flags: <defaults>
</compile_context>

<pallas_src>
import functools

import jax
import jax.numpy as jnp
from jax import lax
from jax.experimental import pallas as pl
from jax.experimental.pallas import tpu as pltpu
from jax.experimental.pallas import tpu_sc as plsc

_NUM_NODES = 10000
_NUM_EDGES = 320000
_D = 128
_ALPHA = 0.5
_NUM_LAYERS = 2

_NC = 2
_NS = 16
_FPT = _D // (_NC * _NS)
_C = 8000
_NCHUNK = _NUM_EDGES // _C
_GROUPS = _C // 16
_NODE_GROUPS = _NUM_NODES // 16

_SIM_B = 512


def _sim_body(ea_ref, q_ref, out_ref):
    ea = ea_ref[...]
    q = q_ref[...]
    qnorm = jnp.maximum(jnp.sqrt(jnp.sum(q * q)), 1e-12)
    dots = jnp.sum(ea * q, axis=1)
    rnorm = jnp.maximum(jnp.sqrt(jnp.sum(ea * ea, axis=1)), 1e-12)
    out_ref[...] = (dots / (rnorm * qnorm)).reshape(1, 8, _SIM_B // 8)


def _edge_sim(edge_attr, question_emb):
    grid = _NUM_EDGES // _SIM_B
    out = pl.pallas_call(
        _sim_body,
        grid=(grid,),
        in_specs=[
            pl.BlockSpec((_SIM_B, _D), lambda i: (i, 0)),
            pl.BlockSpec((1, _D), lambda i: (0, 0)),
        ],
        out_specs=pl.BlockSpec((1, 8, _SIM_B // 8), lambda i: (i, 0, 0)),
        out_shape=jax.ShapeDtypeStruct((grid, 8, _SIM_B // 8), jnp.float32),
    )(edge_attr, question_emb.reshape(1, _D))
    return out.reshape(_NUM_EDGES)


def _mpnn_body(xt_hbm, src_hbm, dst_hbm, sim_hbm, out_hbm,
               xc, acc, deg, srcb, dstb, simb, sem):
    wid = lax.axis_index("s") * _NC + lax.axis_index("c")
    base = wid * _FPT * _NUM_NODES

    foffs = [jnp.full((16,), f * _NUM_NODES, dtype=jnp.int32)
             for f in range(_FPT)]
    ones16 = jnp.ones((16,), jnp.float32)
    zeros16 = jnp.zeros((16,), jnp.float32)

    pltpu.sync_copy(xt_hbm.at[pl.ds(base, _FPT * _NUM_NODES)], xc)

    def zero_deg(j, carry):
        deg[pl.ds(j * 16, 16)] = zeros16
        return carry

    lax.fori_loop(0, _NODE_GROUPS, zero_deg, 0)

    for layer in range(_NUM_LAYERS):
        def zero_acc(j, carry):
            acc[pl.ds(j * 16, 16)] = zeros16
            return carry

        lax.fori_loop(0, _FPT * _NODE_GROUPS, zero_acc, 0)

        count_deg = layer == 0

        def group_body(g, carry):
            ds = pl.ds(g * 16, 16)
            s16 = srcb[ds]
            d16 = dstb[ds]
            w16 = simb[ds]
            for f in range(_FPT):
                v = plsc.load_gather(xc, [s16 + foffs[f]])
                plsc.addupdate_scatter(acc, [d16 + foffs[f]], v * w16)
            if count_deg:
                plsc.addupdate_scatter(deg, [d16], ones16)
            return carry

        def chunk_body(ch, carry):
            off = ch * _C
            c1 = pltpu.async_copy(src_hbm.at[pl.ds(off, _C)], srcb, sem)
            c2 = pltpu.async_copy(dst_hbm.at[pl.ds(off, _C)], dstb, sem)
            c3 = pltpu.async_copy(sim_hbm.at[pl.ds(off, _C)], simb, sem)
            c1.wait()
            c2.wait()
            c3.wait()
            lax.fori_loop(0, _GROUPS, group_body, 0)
            return carry

        lax.fori_loop(0, _NCHUNK, chunk_body, 0)

        if layer == 0:
            def inv_body(j, carry):
                ds = pl.ds(j * 16, 16)
                deg[ds] = 1.0 / jnp.maximum(deg[ds], 1.0)
                return carry

            lax.fori_loop(0, _NODE_GROUPS, inv_body, 0)

        def blend_body(j, carry):
            ds = pl.ds(j * 16, 16)
            iv = deg[ds]
            for f in range(_FPT):
                dsf = pl.ds(f * _NUM_NODES + j * 16, 16)
                xc[dsf] = _ALPHA * xc[dsf] + (1.0 - _ALPHA) * (acc[dsf] * iv)
            return carry

        lax.fori_loop(0, _NODE_GROUPS, blend_body, 0)

    pltpu.sync_copy(xc, out_hbm.at[pl.ds(base, _FPT * _NUM_NODES)])


def _mpnn_sc(xt, src, dst, sim):
    mesh = plsc.VectorSubcoreMesh(
        core_axis_name="c", subcore_axis_name="s",
        num_cores=_NC, num_subcores=_NS)
    run = pl.kernel(
        _mpnn_body,
        out_type=jax.ShapeDtypeStruct((_D * _NUM_NODES,), jnp.float32),
        mesh=mesh,
        scratch_types=[
            pltpu.VMEM((_FPT * _NUM_NODES,), jnp.float32),
            pltpu.VMEM((_FPT * _NUM_NODES,), jnp.float32),
            pltpu.VMEM((_NUM_NODES,), jnp.float32),
            pltpu.VMEM((_C,), jnp.int32),
            pltpu.VMEM((_C,), jnp.int32),
            pltpu.VMEM((_C,), jnp.float32),
            pltpu.SemaphoreType.DMA,
        ],
        compiler_params=pltpu.CompilerParams(needs_layout_passes=False),
    )
    return run(xt, src, dst, sim)


def kernel(x, edge_index, edge_attr, question_emb):
    src = edge_index[0].astype(jnp.int32)
    dst = edge_index[1].astype(jnp.int32)
    sim = _edge_sim(edge_attr, question_emb)
    xt = x.T.reshape(_D * _NUM_NODES)
    out_t = _mpnn_sc(xt, src, dst, sim)
    return out_t.reshape(_D, _NUM_NODES).T

# --- scband reference (transcript-rebuilt; emitter-appended) ---
"""Pipeline reference for scband-simple-mpnn-11175504904834 (READ-ONLY COPY).

The authoritative reference and input builder live on the scoring server;
editing this copy changes nothing except your own understanding.
"""

import jax, jax.numpy as jnp
import numpy as np

NUM_NODES = 10000
NUM_EDGES = 320000
D_FEAT = 128
NUM_LAYERS = 2
ALPHA = 0.5


def setup_inputs(seed: int = 0) -> dict:
    key = jax.random.key(seed)
    k1, k2, k3, k4 = jax.random.split(key, 4)
    x = jax.random.normal(k1, (NUM_NODES, D_FEAT), dtype=jnp.float32)
    edge_index = jax.random.randint(k2, (2, NUM_EDGES), 0, NUM_NODES, dtype=jnp.int64)
    edge_attr = jax.random.normal(k3, (NUM_EDGES, D_FEAT), dtype=jnp.float32)
    question_emb = jax.random.normal(k4, (D_FEAT,), dtype=jnp.float32)
    return {"x": x, "edge_index": edge_index, "edge_attr": edge_attr, "question_emb": question_emb}


def _l2_normalize(v, axis):
    # mimics torch.nn.functional.normalize(p=2, eps=1e-12)
    norm = jnp.linalg.norm(v, ord=2, axis=axis, keepdims=True)
    return v / jnp.clip(norm, 1e-12, None)


def reference(x, edge_index, edge_attr, question_emb):
    num_nodes = x.shape[0]
    edge_sim = jnp.matmul(_l2_normalize(edge_attr, axis=1), _l2_normalize(question_emb, axis=0))  # [E]
    src = edge_index[0]
    dst = edge_index[1]
    # degree of dst nodes (constant across layers)
    degree = jax.ops.segment_sum(jnp.ones((edge_index.shape[1],), dtype=x.dtype), dst, num_segments=num_nodes)
    degree = jnp.clip(degree, 1.0, None)[:, None]
    for _ in range(NUM_LAYERS):
        msgs = x[src] * edge_sim[:, None]  # gather + scale
        x_new = jax.ops.segment_sum(msgs, dst, num_segments=num_nodes)  # scatter-add
        # aggregation == 'mean'
        x_new = x_new / degree
        x = ALPHA * x + (1.0 - ALPHA) * x_new
    return x

if __name__ == "__main__":
    import jax
    _d = setup_inputs()
    print(jax.jit(kernel)(*tuple(_d.values())))

</pallas_src>

<mosaic_0001>
#map = affine_map<(d0, d1) -> (0)>
module attributes {stable_mosaic.version = 14 : i64} {
  func.func @_mpnn_body(%arg0: i32, %arg1: i32, %arg2: memref<1280000xf32, #tpu.memory_space<hbm>>, %arg3: memref<320000xi32, #tpu.memory_space<hbm>>, %arg4: memref<320000xi32, #tpu.memory_space<hbm>>, %arg5: memref<320000xf32, #tpu.memory_space<hbm>>, %arg6: memref<1280000xf32, #tpu.memory_space<hbm>>, %arg7: memref<40000xf32, #tpu.memory_space<vmem>>, %arg8: memref<40000xf32, #tpu.memory_space<vmem>>, %arg9: memref<10000xf32, #tpu.memory_space<vmem>>, %arg10: memref<8000xi32, #tpu.memory_space<vmem>>, %arg11: memref<8000xi32, #tpu.memory_space<vmem>>, %arg12: memref<8000xf32, #tpu.memory_space<vmem>>, %arg13: memref<!tpu.dma_semaphore, #tpu.memory_space<semaphore_mem>>) attributes {dimension_semantics = [#tpu.dimension_semantics<core_parallel>, #tpu.dimension_semantics<subcore_parallel>], iteration_bounds = array<i64: 2, 16>, scalar_prefetch = 0 : i64, scratch_operands = 7 : i64, tpu.core_type = #tpu.core_type<sc_vector_subcore>, window_params = [{transform_indices = #map}, {transform_indices = #map}, {transform_indices = #map}, {transform_indices = #map}, {transform_indices = #map}]} {
    %mul3A = arith.constant 2 : i32
    %mul3A_0 = arith.muli %arg1, %mul3A : i32
    %add3A = arith.addi %mul3A_0, %arg0 : i32
    %mul3A_1 = arith.constant 4 : i32
    %mul3A_2 = arith.muli %add3A, %mul3A_1 : i32
    %mul3A_3 = arith.constant 10000 : i32
    %mul3A_4 = arith.muli %mul3A_2, %mul3A_3 : i32
    %broadcast_in_dim3A = arith.constant 0 : i32
    %broadcast_in_dim3A_5 = vector.broadcast %broadcast_in_dim3A : i32 to vector<16xi32>
    %broadcast_in_dim3A_6 = arith.constant 10000 : i32
    %broadcast_in_dim3A_7 = vector.broadcast %broadcast_in_dim3A_6 : i32 to vector<16xi32>
    %broadcast_in_dim3A_8 = arith.constant 20000 : i32
    %broadcast_in_dim3A_9 = vector.broadcast %broadcast_in_dim3A_8 : i32 to vector<16xi32>
    %broadcast_in_dim3A_10 = arith.constant 30000 : i32
    %broadcast_in_dim3A_11 = vector.broadcast %broadcast_in_dim3A_10 : i32 to vector<16xi32>
    %broadcast_in_dim3A_12 = arith.constant 1.000000e+00 : f32
    %broadcast_in_dim3A_13 = vector.broadcast %broadcast_in_dim3A_12 : f32 to vector<16xf32>
    %broadcast_in_dim3A_14 = arith.constant 0.000000e+00 : f32
    %broadcast_in_dim3A_15 = vector.broadcast %broadcast_in_dim3A_14 : f32 to vector<16xf32>
    "tpu.region"() ({
      %run_scoped3A = tpu.sem_alloc : memref<!tpu.dma_semaphore, #tpu.memory_space<semaphore_mem>>
      %dma_start3A = tpu.memref_slice %arg2[%mul3A_4] : memref<1280000xf32, #tpu.memory_space<hbm>> -> memref<40000xf32, #tpu.memory_space<hbm>>
      %dma_start3A_63 = tpu.memref_slice %arg2[%mul3A_4] : memref<1280000xf32, #tpu.memory_space<hbm>> -> memref<40000xf32, #tpu.memory_space<hbm>>
      tpu.enqueue_dma source(%dma_start3A_63 : memref<40000xf32, #tpu.memory_space<hbm>>) target(%arg7 : memref<40000xf32, #tpu.memory_space<vmem>>) target_semaphore(%run_scoped3A : memref<!tpu.dma_semaphore, #tpu.memory_space<semaphore_mem>>)
      %dma_wait3A = tpu.memref_slice %arg2[%mul3A_4] : memref<1280000xf32, #tpu.memory_space<hbm>> -> memref<40000xf32, #tpu.memory_space<hbm>>
      %dma_wait3A_64 = tpu.memref_slice %arg2[%mul3A_4] : memref<1280000xf32, #tpu.memory_space<hbm>> -> memref<40000xf32, #tpu.memory_space<hbm>>
      tpu.wait_dma2 semaphore(%run_scoped3A : memref<!tpu.dma_semaphore, #tpu.memory_space<semaphore_mem>>) src(%dma_wait3A_64 : memref<40000xf32, #tpu.memory_space<hbm>>) dst(%arg7 : memref<40000xf32, #tpu.memory_space<vmem>>)
      tpu.yield
    }) : () -> ()
    %scan3A = arith.constant 0 : i32
    %scan3A_16 = arith.constant 0 : i32
    %scan3A_17 = arith.constant 625 : i32
    %scan3A_18 = arith.addi %scan3A_16, %scan3A_17 : i32
    %scan3A_19 = arith.constant 1 : i32
    scf.for %scan3A_63 = %scan3A_16 to %scan3A_18 step %scan3A_19  : i32 {
      %mul3A_64 = arith.constant 16 : i32
      %mul3A_65 = arith.muli %scan3A_63, %mul3A_64 : i32
      %swap3A = arith.index_cast %mul3A_65 : i32 to index
      %swap3A_66 = tpu.vector_load %arg9[%swap3A] {strides = array<i32>} : memref<10000xf32, #tpu.memory_space<vmem>>, vector<16xf32>,
      tpu.vector_store %arg9[%swap3A], %broadcast_in_dim3A_15 {strides = array<i32>} : memref<10000xf32, #tpu.memory_space<vmem>>, vector<16xf32>,
    }
    %scan3A_20 = arith.constant 625 : i32
    %scan3A_21 = arith.constant 0 : i32
    %scan3A_22 = arith.constant 0 : i32
    %scan3A_23 = arith.constant 2500 : i32
    %scan3A_24 = arith.addi %scan3A_22, %scan3A_23 : i32
    %scan3A_25 = arith.constant 1 : i32
    scf.for %scan3A_63 = %scan3A_22 to %scan3A_24 step %scan3A_25  : i32 {
      %mul3A_64 = arith.constant 16 : i32
      %mul3A_65 = arith.muli %scan3A_63, %mul3A_64 : i32
      %swap3A = arith.index_cast %mul3A_65 : i32 to index
      %swap3A_66 = tpu.vector_load %arg8[%swap3A] {strides = array<i32>} : memref<40000xf32, #tpu.memory_space<vmem>>, vector<16xf32>,
      tpu.vector_store %arg8[%swap3A], %broadcast_in_dim3A_15 {strides = array<i32>} : memref<40000xf32, #tpu.memory_space<vmem>>, vector<16xf32>,
    }
    %scan3A_26 = arith.constant 2500 : i32
    %scan3A_27 = arith.constant 0 : i32
    %scan3A_28 = arith.constant 0 : i32
    %scan3A_29 = arith.constant 40 : i32
    %scan3A_30 = arith.addi %scan3A_28, %scan3A_29 : i32
    %scan3A_31 = arith.constant 1 : i32
    scf.for %scan3A_63 = %scan3A_28 to %scan3A_30 step %scan3A_31  : i32 {
      %mul3A_64 = arith.constant 8000 : i32
      %mul3A_65 = arith.muli %scan3A_63, %mul3A_64 : i32
      %dma_start3A = tpu.memref_slice %arg3[%mul3A_65] : memref<320000xi32, #tpu.memory_space<hbm>> -> memref<8000xi32, #tpu.memory_space<hbm>>
      %dma_start3A_66 = tpu.memref_slice %arg3[%mul3A_65] : memref<320000xi32, #tpu.memory_space<hbm>> -> memref<8000xi32, #tpu.memory_space<hbm>>
      tpu.enqueue_dma source(%dma_start3A_66 : memref<8000xi32, #tpu.memory_space<hbm>>) target(%arg10 : memref<8000xi32, #tpu.memory_space<vmem>>) target_semaphore(%arg13 : memref<!tpu.dma_semaphore, #tpu.memory_space<semaphore_mem>>)
      %dma_start3A_67 = tpu.memref_slice %arg4[%mul3A_65] : memref<320000xi32, #tpu.memory_space<hbm>> -> memref<8000xi32, #tpu.memory_space<hbm>>
      %dma_start3A_68 = tpu.memref_slice %arg4[%mul3A_65] : memref<320000xi32, #tpu.memory_space<hbm>> -> memref<8000xi32, #tpu.memory_space<hbm>>
      tpu.enqueue_dma source(%dma_start3A_68 : memref<8000xi32, #tpu.memory_space<hbm>>) target(%arg11 : memref<8000xi32, #tpu.memory_space<vmem>>) target_semaphore(%arg13 : memref<!tpu.dma_semaphore, #tpu.memory_space<semaphore_mem>>)
      %dma_start3A_69 = tpu.memref_slice %arg5[%mul3A_65] : memref<320000xf32, #tpu.memory_space<hbm>> -> memref<8000xf32, #tpu.memory_space<hbm>>
      %dma_start3A_70 = tpu.memref_slice %arg5[%mul3A_65] : memref<320000xf32, #tpu.memory_space<hbm>> -> memref<8000xf32, #tpu.memory_space<hbm>>
      tpu.enqueue_dma source(%dma_start3A_70 : memref<8000xf32, #tpu.memory_space<hbm>>) target(%arg12 : memref<8000xf32, #tpu.memory_space<vmem>>) target_semaphore(%arg13 : memref<!tpu.dma_semaphore, #tpu.memory_space<semaphore_mem>>)
      %dma_wait3A = tpu.memref_slice %arg3[%mul3A_65] : memref<320000xi32, #tpu.memory_space<hbm>> -> memref<8000xi32, #tpu.memory_space<hbm>>
      %dma_wait3A_71 = tpu.memref_slice %arg3[%mul3A_65] : memref<320000xi32, #tpu.memory_space<hbm>> -> memref<8000xi32, #tpu.memory_space<hbm>>
      tpu.wait_dma2 semaphore(%arg13 : memref<!tpu.dma_semaphore, #tpu.memory_space<semaphore_mem>>) src(%dma_wait3A_71 : memref<8000xi32, #tpu.memory_space<hbm>>) dst(%arg10 : memref<8000xi32, #tpu.memory_space<vmem>>)
      %dma_wait3A_72 = tpu.memref_slice %arg4[%mul3A_65] : memref<320000xi32, #tpu.memory_space<hbm>> -> memref<8000xi32, #tpu.memory_space<hbm>>
      %dma_wait3A_73 = tpu.memref_slice %arg4[%mul3A_65] : memref<320000xi32, #tpu.memory_space<hbm>> -> memref<8000xi32, #tpu.memory_space<hbm>>
      tpu.wait_dma2 semaphore(%arg13 : memref<!tpu.dma_semaphore, #tpu.memory_space<semaphore_mem>>) src(%dma_wait3A_73 : memref<8000xi32, #tpu.memory_space<hbm>>) dst(%arg11 : memref<8000xi32, #tpu.memory_space<vmem>>)
      %dma_wait3A_74 = tpu.memref_slice %arg5[%mul3A_65] : memref<320000xf32, #tpu.memory_space<hbm>> -> memref<8000xf32, #tpu.memory_space<hbm>>
      %dma_wait3A_75 = tpu.memref_slice %arg5[%mul3A_65] : memref<320000xf32, #tpu.memory_space<hbm>> -> memref<8000xf32, #tpu.memory_space<hbm>>
      tpu.wait_dma2 semaphore(%arg13 : memref<!tpu.dma_semaphore, #tpu.memory_space<semaphore_mem>>) src(%dma_wait3A_75 : memref<8000xf32, #tpu.memory_space<hbm>>) dst(%arg12 : memref<8000xf32, #tpu.memory_space<vmem>>)
      %scan3A_76 = arith.constant 0 : i32
      %scan3A_77 = arith.constant 0 : i32
      %scan3A_78 = arith.constant 500 : i32
      %scan3A_79 = arith.addi %scan3A_77, %scan3A_78 : i32
      %scan3A_80 = arith.constant 1 : i32
      scf.for %scan3A_82 = %scan3A_77 to %scan3A_79 step %scan3A_80  : i32 {
        %mul3A_83 = arith.constant 16 : i32
        %mul3A_84 = arith.muli %scan3A_82, %mul3A_83 : i32
        %get3A = arith.index_cast %mul3A_84 : i32 to index
        %get3A_85 = tpu.vector_load %arg10[%get3A] {strides = array<i32>} : memref<8000xi32, #tpu.memory_space<vmem>>, vector<16xi32>,
        %get3A_86 = arith.index_cast %mul3A_84 : i32 to index
        %get3A_87 = tpu.vector_load %arg11[%get3A_86] {strides = array<i32>} : memref<8000xi32, #tpu.memory_space<vmem>>, vector<16xi32>,
        %get3A_88 = arith.index_cast %mul3A_84 : i32 to index
        %get3A_89 = tpu.vector_load %arg12[%get3A_88] {strides = array<i32>} : memref<8000xf32, #tpu.memory_space<vmem>>, vector<16xf32>,
        %add3A_90 = arith.addi %get3A_85, %broadcast_in_dim3A_5 : vector<16xi32>
        %gather3A = tpu.vector_load_idx %arg7[%add3A_90] : memref<40000xf32, #tpu.memory_space<vmem>>[vector<16xi32>], vector<16xf32>,
        %add3A_91 = arith.addi %get3A_87, %broadcast_in_dim3A_5 : vector<16xi32>
        %mul3A_92 = arith.mulf %gather3A, %get3A_89 : vector<16xf32>
        tpu.vector_store_idx %arg8[%add3A_91], %mul3A_92 {add = true} : memref<40000xf32, #tpu.memory_space<vmem>>[vector<16xi32>], vector<16xf32>,
        %add3A_93 = arith.addi %get3A_85, %broadcast_in_dim3A_7 : vector<16xi32>
        %gather3A_94 = tpu.vector_load_idx %arg7[%add3A_93] : memref<40000xf32, #tpu.memory_space<vmem>>[vector<16xi32>], vector<16xf32>,
        %add3A_95 = arith.addi %get3A_87, %broadcast_in_dim3A_7 : vector<16xi32>
        %mul3A_96 = arith.mulf %gather3A_94, %get3A_89 : vector<16xf32>
        tpu.vector_store_idx %arg8[%add3A_95], %mul3A_96 {add = true} : memref<40000xf32, #tpu.memory_space<vmem>>[vector<16xi32>], vector<16xf32>,
        %add3A_97 = arith.addi %get3A_85, %broadcast_in_dim3A_9 : vector<16xi32>
        %gather3A_98 = tpu.vector_load_idx %arg7[%add3A_97] : memref<40000xf32, #tpu.memory_space<vmem>>[vector<16xi32>], vector<16xf32>,
        %add3A_99 = arith.addi %get3A_87, %broadcast_in_dim3A_9 : vector<16xi32>
        %mul3A_100 = arith.mulf %gather3A_98, %get3A_89 : vector<16xf32>
        tpu.vector_store_idx %arg8[%add3A_99], %mul3A_100 {add = true} : memref<40000xf32, #tpu.memory_space<vmem>>[vector<16xi32>], vector<16xf32>,
        %add3A_101 = arith.addi %get3A_85, %broadcast_in_dim3A_11 : vector<16xi32>
        %gather3A_102 = tpu.vector_load_idx %arg7[%add3A_101] : memref<40000xf32, #tpu.memory_space<vmem>>[vector<16xi32>], vector<16xf32>,
        %add3A_103 = arith.addi %get3A_87, %broadcast_in_dim3A_11 : vector<16xi32>
        %mul3A_104 = arith.mulf %gather3A_102, %get3A_89 : vector<16xf32>
        tpu.vector_store_idx %arg8[%add3A_103], %mul3A_104 {add = true} : memref<40000xf32, #tpu.memory_space<vmem>>[vector<16xi32>], vector<16xf32>,
        tpu.vector_store_idx %arg9[%get3A_87], %broadcast_in_dim3A_13 {add = true} : memref<10000xf32, #tpu.memory_space<vmem>>[vector<16xi32>], vector<16xf32>,
      }
      %scan3A_81 = arith.constant 500 : i32
    }
    %scan3A_32 = arith.constant 40 : i32
    %scan3A_33 = arith.constant 0 : i32
    %scan3A_34 = arith.constant 0 : i32
    %scan3A_35 = arith.constant 625 : i32
    %scan3A_36 = arith.addi %scan3A_34, %scan3A_35 : i32
    %scan3A_37 = arith.constant 1 : i32
    scf.for %scan3A_63 = %scan3A_34 to %scan3A_36 step %scan3A_37  : i32 {
      %mul3A_64 = arith.constant 16 : i32
      %mul3A_65 = arith.muli %scan3A_63, %mul3A_64 : i32
      %get3A = arith.index_cast %mul3A_65 : i32 to index
      %get3A_66 = tpu.vector_load %arg9[%get3A] {strides = array<i32>} : memref<10000xf32, #tpu.memory_space<vmem>>, vector<16xf32>,
      %max3A = arith.constant 1.000000e+00 : f32
      %max3A_67 = vector.broadcast %max3A : f32 to vector<16xf32>
      %max3A_68 = arith.maximumf %get3A_66, %max3A_67 : vector<16xf32>
      %div3A = arith.constant 1.000000e+00 : f32
      %div3A_69 = vector.broadcast %div3A : f32 to vector<16xf32>
      %div3A_70 = arith.divf %div3A_69, %max3A_68 : vector<16xf32>
      %swap3A = arith.index_cast %mul3A_65 : i32 to index
      %swap3A_71 = tpu.vector_load %arg9[%swap3A] {strides = array<i32>} : memref<10000xf32, #tpu.memory_space<vmem>>, vector<16xf32>,
      tpu.vector_store %arg9[%swap3A], %div3A_70 {strides = array<i32>} : memref<10000xf32, #tpu.memory_space<vmem>>, vector<16xf32>,
    }
    %scan3A_38 = arith.constant 625 : i32
    %scan3A_39 = arith.constant 0 : i32
    %scan3A_40 = arith.constant 0 : i32
    %scan3A_41 = arith.constant 625 : i32
    %scan3A_42 = arith.addi %scan3A_40, %scan3A_41 : i32
    %scan3A_43 = arith.constant 1 : i32
    scf.for %scan3A_63 = %scan3A_40 to %scan3A_42 step %scan3A_43  : i32 {
      %mul3A_64 = arith.constant 16 : i32
      %mul3A_65 = arith.muli %scan3A_63, %mul3A_64 : i32
      %get3A = arith.index_cast %mul3A_65 : i32 to index
      %get3A_66 = tpu.vector_load %arg9[%get3A] {strides = array<i32>} : memref<10000xf32, #tpu.memory_space<vmem>>, vector<16xf32>,
      %mul3A_67 = arith.constant 16 : i32
      %mul3A_68 = arith.muli %scan3A_63, %mul3A_67 : i32
      %add3A_69 = arith.constant 0 : i32
      %add3A_70 = arith.addi %add3A_69, %mul3A_68 : i32
      %get3A_71 = arith.index_cast %add3A_70 : i32 to index
      %get3A_72 = tpu.vector_load %arg7[%get3A_71] {strides = array<i32>} : memref<40000xf32, #tpu.memory_space<vmem>>, vector<16xf32>,
      %mul3A_73 = arith.constant 5.000000e-01 : f32
      %mul3A_74 = vector.broadcast %mul3A_73 : f32 to vector<16xf32>
      %mul3A_75 = arith.mulf %mul3A_74, %get3A_72 : vector<16xf32>
      %get3A_76 = arith.index_cast %add3A_70 : i32 to index
      %get3A_77 = tpu.vector_load %arg8[%get3A_76] {strides = array<i32>} : memref<40000xf32, #tpu.memory_space<vmem>>, vector<16xf32>,
      %mul3A_78 = arith.mulf %get3A_77, %get3A_66 : vector<16xf32>
      %mul3A_79 = arith.constant 5.000000e-01 : f32
      %mul3A_80 = vector.broadcast %mul3A_79 : f32 to vector<16xf32>
      %mul3A_81 = arith.mulf %mul3A_80, %mul3A_78 : vector<16xf32>
      %add3A_82 = arith.addf %mul3A_75, %mul3A_81 : vector<16xf32>
      %swap3A = arith.index_cast %add3A_70 : i32 to index
      %swap3A_83 = tpu.vector_load %arg7[%swap3A] {strides = array<i32>} : memref<40000xf32, #tpu.memory_space<vmem>>, vector<16xf32>,
      tpu.vector_store %arg7[%swap3A], %add3A_82 {strides = array<i32>} : memref<40000xf32, #tpu.memory_space<vmem>>, vector<16xf32>,
      %mul3A_84 = arith.constant 16 : i32
      %mul3A_85 = arith.muli %scan3A_63, %mul3A_84 : i32
      %add3A_86 = arith.constant 10000 : i32
      %add3A_87 = arith.addi %add3A_86, %mul3A_85 : i32
      %get3A_88 = arith.index_cast %add3A_87 : i32 to index
      %get3A_89 = tpu.vector_load %arg7[%get3A_88] {strides = array<i32>} : memref<40000xf32, #tpu.memory_space<vmem>>, vector<16xf32>,
      %mul3A_90 = arith.constant 5.000000e-01 : f32
      %mul3A_91 = vector.broadcast %mul3A_90 : f32 to vector<16xf32>
      %mul3A_92 = arith.mulf %mul3A_91, %get3A_89 : vector<16xf32>
      %get3A_93 = arith.index_cast %add3A_87 : i32 to index
      %get3A_94 = tpu.vector_load %arg8[%get3A_93] {strides = array<i32>} : memref<40000xf32, #tpu.memory_space<vmem>>, vector<16xf32>,
      %mul3A_95 = arith.mulf %get3A_94, %get3A_66 : vector<16xf32>
      %mul3A_96 = arith.constant 5.000000e-01 : f32
      %mul3A_97 = vector.broadcast %mul3A_96 : f32 to vector<16xf32>
      %mul3A_98 = arith.mulf %mul3A_97, %mul3A_95 : vector<16xf32>
      %add3A_99 = arith.addf %mul3A_92, %mul3A_98 : vector<16xf32>
      %swap3A_100 = arith.index_cast %add3A_87 : i32 to index
      %swap3A_101 = tpu.vector_load %arg7[%swap3A_100] {strides = array<i32>} : memref<40000xf32, #tpu.memory_space<vmem>>, vector<16xf32>,
      tpu.vector_store %arg7[%swap3A_100], %add3A_99 {strides = array<i32>} : memref<40000xf32, #tpu.memory_space<vmem>>, vector<16xf32>,
      %mul3A_102 = arith.constant 16 : i32
      %mul3A_103 = arith.muli %scan3A_63, %mul3A_102 : i32
      %add3A_104 = arith.constant 20000 : i32
      %add3A_105 = arith.addi %add3A_104, %mul3A_103 : i32
      %get3A_106 = arith.index_cast %add3A_105 : i32 to index
      %get3A_107 = tpu.vector_load %arg7[%get3A_106] {strides = array<i32>} : memref<40000xf32, #tpu.memory_space<vmem>>, vector<16xf32>,
      %mul3A_108 = arith.constant 5.000000e-01 : f32
      %mul3A_109 = vector.broadcast %mul3A_108 : f32 to vector<16xf32>
      %mul3A_110 = arith.mulf %mul3A_109, %get3A_107 : vector<16xf32>
      %get3A_111 = arith.index_cast %add3A_105 : i32 to index
      %get3A_112 = tpu.vector_load %arg8[%get3A_111] {strides = array<i32>} : memref<40000xf32, #tpu.memory_space<vmem>>, vector<16xf32>,
      %mul3A_113 = arith.mulf %get3A_112, %get3A_66 : vector<16xf32>
      %mul3A_114 = arith.constant 5.000000e-01 : f32
      %mul3A_115 = vector.broadcast %mul3A_114 : f32 to vector<16xf32>
      %mul3A_116 = arith.mulf %mul3A_115, %mul3A_113 : vector<16xf32>
      %add3A_117 = arith.addf %mul3A_110, %mul3A_116 : vector<16xf32>
      %swap3A_118 = arith.index_cast %add3A_105 : i32 to index
      %swap3A_119 = tpu.vector_load %arg7[%swap3A_118] {strides = array<i32>} : memref<40000xf32, #tpu.memory_space<vmem>>, vector<16xf32>,
      tpu.vector_store %arg7[%swap3A_118], %add3A_117 {strides = array<i32>} : memref<40000xf32, #tpu.memory_space<vmem>>, vector<16xf32>,
      %mul3A_120 = arith.constant 16 : i32
      %mul3A_121 = arith.muli %scan3A_63, %mul3A_120 : i32
      %add3A_122 = arith.constant 30000 : i32
      %add3A_123 = arith.addi %add3A_122, %mul3A_121 : i32
      %get3A_124 = arith.index_cast %add3A_123 : i32 to index
      %get3A_125 = tpu.vector_load %arg7[%get3A_124] {strides = array<i32>} : memref<40000xf32, #tpu.memory_space<vmem>>, vector<16xf32>,
      %mul3A_126 = arith.constant 5.000000e-01 : f32
      %mul3A_127 = vector.broadcast %mul3A_126 : f32 to vector<16xf32>
      %mul3A_128 = arith.mulf %mul3A_127, %get3A_125 : vector<16xf32>
      %get3A_129 = arith.index_cast %add3A_123 : i32 to index
      %get3A_130 = tpu.vector_load %arg8[%get3A_129] {strides = array<i32>} : memref<40000xf32, #tpu.memory_space<vmem>>, vector<16xf32>,
      %mul3A_131 = arith.mulf %get3A_130, %get3A_66 : vector<16xf32>
      %mul3A_132 = arith.constant 5.000000e-01 : f32
      %mul3A_133 = vector.broadcast %mul3A_132 : f32 to vector<16xf32>
      %mul3A_134 = arith.mulf %mul3A_133, %mul3A_131 : vector<16xf32>
      %add3A_135 = arith.addf %mul3A_128, %mul3A_134 : vector<16xf32>
      %swap3A_136 = arith.index_cast %add3A_123 : i32 to index
      %swap3A_137 = tpu.vector_load %arg7[%swap3A_136] {strides = array<i32>} : memref<40000xf32, #tpu.memory_space<vmem>>, vector<16xf32>,
      tpu.vector_store %arg7[%swap3A_136], %add3A_135 {strides = array<i32>} : memref<40000xf32, #tpu.memory_space<vmem>>, vector<16xf32>,
    }
    %scan3A_44 = arith.constant 625 : i32
    %scan3A_45 = arith.constant 0 : i32
    %scan3A_46 = arith.constant 0 : i32
    %scan3A_47 = arith.constant 2500 : i32
    %scan3A_48 = arith.addi %scan3A_46, %scan3A_47 : i32
    %scan3A_49 = arith.constant 1 : i32
    scf.for %scan3A_63 = %scan3A_46 to %scan3A_48 step %scan3A_49  : i32 {
      %mul3A_64 = arith.constant 16 : i32
      %mul3A_65 = arith.muli %scan3A_63, %mul3A_64 : i32
      %swap3A = arith.index_cast %mul3A_65 : i32 to index
      %swap3A_66 = tpu.vector_load %arg8[%swap3A] {strides = array<i32>} : memref<40000xf32, #tpu.memory_space<vmem>>, vector<16xf32>,
      tpu.vector_store %arg8[%swap3A], %broadcast_in_dim3A_15 {strides = array<i32>} : memref<40000xf32, #tpu.memory_space<vmem>>, vector<16xf32>,
    }
    %scan3A_50 = arith.constant 2500 : i32
    %scan3A_51 = arith.constant 0 : i32
    %scan3A_52 = arith.constant 0 : i32
    %scan3A_53 = arith.constant 40 : i32
    %scan3A_54 = arith.addi %scan3A_52, %scan3A_53 : i32
    %scan3A_55 = arith.constant 1 : i32
    scf.for %scan3A_63 = %scan3A_52 to %scan3A_54 step %scan3A_55  : i32 {
      %mul3A_64 = arith.constant 8000 : i32
      %mul3A_65 = arith.muli %scan3A_63, %mul3A_64 : i32
      %dma_start3A = tpu.memref_slice %arg3[%mul3A_65] : memref<320000xi32, #tpu.memory_space<hbm>> -> memref<8000xi32, #tpu.memory_space<hbm>>
      %dma_start3A_66 = tpu.memref_slice %arg3[%mul3A_65] : memref<320000xi32, #tpu.memory_space<hbm>> -> memref<8000xi32, #tpu.memory_space<hbm>>
      tpu.enqueue_dma source(%dma_start3A_66 : memref<8000xi32, #tpu.memory_space<hbm>>) target(%arg10 : memref<8000xi32, #tpu.memory_space<vmem>>) target_semaphore(%arg13 : memref<!tpu.dma_semaphore, #tpu.memory_space<semaphore_mem>>)
      %dma_start3A_67 = tpu.memref_slice %arg4[%mul3A_65] : memref<320000xi32, #tpu.memory_space<hbm>> -> memref<8000xi32, #tpu.memory_space<hbm>>
      %dma_start3A_68 = tpu.memref_slice %arg4[%mul3A_65] : memref<320000xi32, #tpu.memory_space<hbm>> -> memref<8000xi32, #tpu.memory_space<hbm>>
      tpu.enqueue_dma source(%dma_start3A_68 : memref<8000xi32, #tpu.memory_space<hbm>>) target(%arg11 : memref<8000xi32, #tpu.memory_space<vmem>>) target_semaphore(%arg13 : memref<!tpu.dma_semaphore, #tpu.memory_space<semaphore_mem>>)
      %dma_start3A_69 = tpu.memref_slice %arg5[%mul3A_65] : memref<320000xf32, #tpu.memory_space<hbm>> -> memref<8000xf32, #tpu.memory_space<hbm>>
      %dma_start3A_70 = tpu.memref_slice %arg5[%mul3A_65] : memref<320000xf32, #tpu.memory_space<hbm>> -> memref<8000xf32, #tpu.memory_space<hbm>>
      tpu.enqueue_dma source(%dma_start3A_70 : memref<8000xf32, #tpu.memory_space<hbm>>) target(%arg12 : memref<8000xf32, #tpu.memory_space<vmem>>) target_semaphore(%arg13 : memref<!tpu.dma_semaphore, #tpu.memory_space<semaphore_mem>>)
      %dma_wait3A = tpu.memref_slice %arg3[%mul3A_65] : memref<320000xi32, #tpu.memory_space<hbm>> -> memref<8000xi32, #tpu.memory_space<hbm>>
      %dma_wait3A_71 = tpu.memref_slice %arg3[%mul3A_65] : memref<320000xi32, #tpu.memory_space<hbm>> -> memref<8000xi32, #tpu.memory_space<hbm>>
      tpu.wait_dma2 semaphore(%arg13 : memref<!tpu.dma_semaphore, #tpu.memory_space<semaphore_mem>>) src(%dma_wait3A_71 : memref<8000xi32, #tpu.memory_space<hbm>>) dst(%arg10 : memref<8000xi32, #tpu.memory_space<vmem>>)
      %dma_wait3A_72 = tpu.memref_slice %arg4[%mul3A_65] : memref<320000xi32, #tpu.memory_space<hbm>> -> memref<8000xi32, #tpu.memory_space<hbm>>
      %dma_wait3A_73 = tpu.memref_slice %arg4[%mul3A_65] : memref<320000xi32, #tpu.memory_space<hbm>> -> memref<8000xi32, #tpu.memory_space<hbm>>
      tpu.wait_dma2 semaphore(%arg13 : memref<!tpu.dma_semaphore, #tpu.memory_space<semaphore_mem>>) src(%dma_wait3A_73 : memref<8000xi32, #tpu.memory_space<hbm>>) dst(%arg11 : memref<8000xi32, #tpu.memory_space<vmem>>)
      %dma_wait3A_74 = tpu.memref_slice %arg5[%mul3A_65] : memref<320000xf32, #tpu.memory_space<hbm>> -> memref<8000xf32, #tpu.memory_space<hbm>>
      %dma_wait3A_75 = tpu.memref_slice %arg5[%mul3A_65] : memref<320000xf32, #tpu.memory_space<hbm>> -> memref<8000xf32, #tpu.memory_space<hbm>>
      tpu.wait_dma2 semaphore(%arg13 : memref<!tpu.dma_semaphore, #tpu.memory_space<semaphore_mem>>) src(%dma_wait3A_75 : memref<8000xf32, #tpu.memory_space<hbm>>) dst(%arg12 : memref<8000xf32, #tpu.memory_space<vmem>>)
      %scan3A_76 = arith.constant 0 : i32
      %scan3A_77 = arith.constant 0 : i32
      %scan3A_78 = arith.constant 500 : i32
      %scan3A_79 = arith.addi %scan3A_77, %scan3A_78 : i32
      %scan3A_80 = arith.constant 1 : i32
      scf.for %scan3A_82 = %scan3A_77 to %scan3A_79 step %scan3A_80  : i32 {
        %mul3A_83 = arith.constant 16 : i32
        %mul3A_84 = arith.muli %scan3A_82, %mul3A_83 : i32
        %get3A = arith.index_cast %mul3A_84 : i32 to index
        %get3A_85 = tpu.vector_load %arg10[%get3A] {strides = array<i32>} : memref<8000xi32, #tpu.memory_space<vmem>>, vector<16xi32>,
        %get3A_86 = arith.index_cast %mul3A_84 : i32 to index
        %get3A_87 = tpu.vector_load %arg11[%get3A_86] {strides = array<i32>} : memref<8000xi32, #tpu.memory_space<vmem>>, vector<16xi32>,
        %get3A_88 = arith.index_cast %mul3A_84 : i32 to index
        %get3A_89 = tpu.vector_load %arg12[%get3A_88] {strides = array<i32>} : memref<8000xf32, #tpu.memory_space<vmem>>, vector<16xf32>,
        %add3A_90 = arith.addi %get3A_85, %broadcast_in_dim3A_5 : vector<16xi32>
        %gather3A = tpu.vector_load_idx %arg7[%add3A_90] : memref<40000xf32, #tpu.memory_space<vmem>>[vector<16xi32>], vector<16xf32>,
        %add3A_91 = arith.addi %get3A_87, %broadcast_in_dim3A_5 : vector<16xi32>
        %mul3A_92 = arith.mulf %gather3A, %get3A_89 : vector<16xf32>
        tpu.vector_store_idx %arg8[%add3A_91], %mul3A_92 {add = true} : memref<40000xf32, #tpu.memory_space<vmem>>[vector<16xi32>], vector<16xf32>,
        %add3A_93 = arith.addi %get3A_85, %broadcast_in_dim3A_7 : vector<16xi32>
        %gather3A_94 = tpu.vector_load_idx %arg7[%add3A_93] : memref<40000xf32, #tpu.memory_space<vmem>>[vector<16xi32>], vector<16xf32>,
        %add3A_95 = arith.addi %get3A_87, %broadcast_in_dim3A_7 : vector<16xi32>
        %mul3A_96 = arith.mulf %gather3A_94, %get3A_89 : vector<16xf32>
        tpu.vector_store_idx %arg8[%add3A_95], %mul3A_96 {add = true} : memref<40000xf32, #tpu.memory_space<vmem>>[vector<16xi32>], vector<16xf32>,
        %add3A_97 = arith.addi %get3A_85, %broadcast_in_dim3A_9 : vector<16xi32>
        %gather3A_98 = tpu.vector_load_idx %arg7[%add3A_97] : memref<40000xf32, #tpu.memory_space<vmem>>[vector<16xi32>], vector<16xf32>,
        %add3A_99 = arith.addi %get3A_87, %broadcast_in_dim3A_9 : vector<16xi32>
        %mul3A_100 = arith.mulf %gather3A_98, %get3A_89 : vector<16xf32>
        tpu.vector_store_idx %arg8[%add3A_99], %mul3A_100 {add = true} : memref<40000xf32, #tpu.memory_space<vmem>>[vector<16xi32>], vector<16xf32>,
        %add3A_101 = arith.addi %get3A_85, %broadcast_in_dim3A_11 : vector<16xi32>
        %gather3A_102 = tpu.vector_load_idx %arg7[%add3A_101] : memref<40000xf32, #tpu.memory_space<vmem>>[vector<16xi32>], vector<16xf32>,
        %add3A_103 = arith.addi %get3A_87, %broadcast_in_dim3A_11 : vector<16xi32>
        %mul3A_104 = arith.mulf %gather3A_102, %get3A_89 : vector<16xf32>
        tpu.vector_store_idx %arg8[%add3A_103], %mul3A_104 {add = true} : memref<40000xf32, #tpu.memory_space<vmem>>[vector<16xi32>], vector<16xf32>,
      }
      %scan3A_81 = arith.constant 500 : i32
    }
    %scan3A_56 = arith.constant 40 : i32
    %scan3A_57 = arith.constant 0 : i32
    %scan3A_58 = arith.constant 0 : i32
    %scan3A_59 = arith.constant 625 : i32
    %scan3A_60 = arith.addi %scan3A_58, %scan3A_59 : i32
    %scan3A_61 = arith.constant 1 : i32
    scf.for %scan3A_63 = %scan3A_58 to %scan3A_60 step %scan3A_61  : i32 {
      %mul3A_64 = arith.constant 16 : i32
      %mul3A_65 = arith.muli %scan3A_63, %mul3A_64 : i32
      %get3A = arith.index_cast %mul3A_65 : i32 to index
      %get3A_66 = tpu.vector_load %arg9[%get3A] {strides = array<i32>} : memref<10000xf32, #tpu.memory_space<vmem>>, vector<16xf32>,
      %mul3A_67 = arith.constant 16 : i32
      %mul3A_68 = arith.muli %scan3A_63, %mul3A_67 : i32
      %add3A_69 = arith.constant 0 : i32
      %add3A_70 = arith.addi %add3A_69, %mul3A_68 : i32
      %get3A_71 = arith.index_cast %add3A_70 : i32 to index
      %get3A_72 = tpu.vector_load %arg7[%get3A_71] {strides = array<i32>} : memref<40000xf32, #tpu.memory_space<vmem>>, vector<16xf32>,
      %mul3A_73 = arith.constant 5.000000e-01 : f32
      %mul3A_74 = vector.broadcast %mul3A_73 : f32 to vector<16xf32>
      %mul3A_75 = arith.mulf %mul3A_74, %get3A_72 : vector<16xf32>
      %get3A_76 = arith.index_cast %add3A_70 : i32 to index
      %get3A_77 = tpu.vector_load %arg8[%get3A_76] {strides = array<i32>} : memref<40000xf32, #tpu.memory_space<vmem>>, vector<16xf32>,
      %mul3A_78 = arith.mulf %get3A_77, %get3A_66 : vector<16xf32>
      %mul3A_79 = arith.constant 5.000000e-01 : f32
      %mul3A_80 = vector.broadcast %mul3A_79 : f32 to vector<16xf32>
      %mul3A_81 = arith.mulf %mul3A_80, %mul3A_78 : vector<16xf32>
      %add3A_82 = arith.addf %mul3A_75, %mul3A_81 : vector<16xf32>
      %swap3A = arith.index_cast %add3A_70 : i32 to index
      %swap3A_83 = tpu.vector_load %arg7[%swap3A] {strides = array<i32>} : memref<40000xf32, #tpu.memory_space<vmem>>, vector<16xf32>,
      tpu.vector_store %arg7[%swap3A], %add3A_82 {strides = array<i32>} : memref<40000xf32, #tpu.memory_space<vmem>>, vector<16xf32>,
      %mul3A_84 = arith.constant 16 : i32
      %mul3A_85 = arith.muli %scan3A_63, %mul3A_84 : i32
      %add3A_86 = arith.constant 10000 : i32
      %add3A_87 = arith.addi %add3A_86, %mul3A_85 : i32
      %get3A_88 = arith.index_cast %add3A_87 : i32 to index
      %get3A_89 = tpu.vector_load %arg7[%get3A_88] {strides = array<i32>} : memref<40000xf32, #tpu.memory_space<vmem>>, vector<16xf32>,
      %mul3A_90 = arith.constant 5.000000e-01 : f32
      %mul3A_91 = vector.broadcast %mul3A_90 : f32 to vector<16xf32>
      %mul3A_92 = arith.mulf %mul3A_91, %get3A_89 : vector<16xf32>
      %get3A_93 = arith.index_cast %add3A_87 : i32 to index
      %get3A_94 = tpu.vector_load %arg8[%get3A_93] {strides = array<i32>} : memref<40000xf32, #tpu.memory_space<vmem>>, vector<16xf32>,
      %mul3A_95 = arith.mulf %get3A_94, %get3A_66 : vector<16xf32>
      %mul3A_96 = arith.constant 5.000000e-01 : f32
      %mul3A_97 = vector.broadcast %mul3A_96 : f32 to vector<16xf32>
      %mul3A_98 = arith.mulf %mul3A_97, %mul3A_95 : vector<16xf32>
      %add3A_99 = arith.addf %mul3A_92, %mul3A_98 : vector<16xf32>
      %swap3A_100 = arith.index_cast %add3A_87 : i32 to index
      %swap3A_101 = tpu.vector_load %arg7[%swap3A_100] {strides = array<i32>} : memref<40000xf32, #tpu.memory_space<vmem>>, vector<16xf32>,
      tpu.vector_store %arg7[%swap3A_100], %add3A_99 {strides = array<i32>} : memref<40000xf32, #tpu.memory_space<vmem>>, vector<16xf32>,
      %mul3A_102 = arith.constant 16 : i32
      %mul3A_103 = arith.muli %scan3A_63, %mul3A_102 : i32
      %add3A_104 = arith.constant 20000 : i32
      %add3A_105 = arith.addi %add3A_104, %mul3A_103 : i32
      %get3A_106 = arith.index_cast %add3A_105 : i32 to index
      %get3A_107 = tpu.vector_load %arg7[%get3A_106] {strides = array<i32>} : memref<40000xf32, #tpu.memory_space<vmem>>, vector<16xf32>,
      %mul3A_108 = arith.constant 5.000000e-01 : f32
      %mul3A_109 = vector.broadcast %mul3A_108 : f32 to vector<16xf32>
      %mul3A_110 = arith.mulf %mul3A_109, %get3A_107 : vector<16xf32>
      %get3A_111 = arith.index_cast %add3A_105 : i32 to index
      %get3A_112 = tpu.vector_load %arg8[%get3A_111] {strides = array<i32>} : memref<40000xf32, #tpu.memory_space<vmem>>, vector<16xf32>,
      %mul3A_113 = arith.mulf %get3A_112, %get3A_66 : vector<16xf32>
      %mul3A_114 = arith.constant 5.000000e-01 : f32
      %mul3A_115 = vector.broadcast %mul3A_114 : f32 to vector<16xf32>
      %mul3A_116 = arith.mulf %mul3A_115, %mul3A_113 : vector<16xf32>
      %add3A_117 = arith.addf %mul3A_110, %mul3A_116 : vector<16xf32>
      %swap3A_118 = arith.index_cast %add3A_105 : i32 to index
      %swap3A_119 = tpu.vector_load %arg7[%swap3A_118] {strides = array<i32>} : memref<40000xf32, #tpu.memory_space<vmem>>, vector<16xf32>,
      tpu.vector_store %arg7[%swap3A_118], %add3A_117 {strides = array<i32>} : memref<40000xf32, #tpu.memory_space<vmem>>, vector<16xf32>,
      %mul3A_120 = arith.constant 16 : i32
      %mul3A_121 = arith.muli %scan3A_63, %mul3A_120 : i32
      %add3A_122 = arith.constant 30000 : i32
      %add3A_123 = arith.addi %add3A_122, %mul3A_121 : i32
      %get3A_124 = arith.index_cast %add3A_123 : i32 to index
      %get3A_125 = tpu.vector_load %arg7[%get3A_124] {strides = array<i32>} : memref<40000xf32, #tpu.memory_space<vmem>>, vector<16xf32>,
      %mul3A_126 = arith.constant 5.000000e-01 : f32
      %mul3A_127 = vector.broadcast %mul3A_126 : f32 to vector<16xf32>
      %mul3A_128 = arith.mulf %mul3A_127, %get3A_125 : vector<16xf32>
      %get3A_129 = arith.index_cast %add3A_123 : i32 to index
      %get3A_130 = tpu.vector_load %arg8[%get3A_129] {strides = array<i32>} : memref<40000xf32, #tpu.memory_space<vmem>>, vector<16xf32>,
      %mul3A_131 = arith.mulf %get3A_130, %get3A_66 : vector<16xf32>
      %mul3A_132 = arith.constant 5.000000e-01 : f32
      %mul3A_133 = vector.broadcast %mul3A_132 : f32 to vector<16xf32>
      %mul3A_134 = arith.mulf %mul3A_133, %mul3A_131 : vector<16xf32>
      %add3A_135 = arith.addf %mul3A_128, %mul3A_134 : vector<16xf32>
      %swap3A_136 = arith.index_cast %add3A_123 : i32 to index
      %swap3A_137 = tpu.vector_load %arg7[%swap3A_136] {strides = array<i32>} : memref<40000xf32, #tpu.memory_space<vmem>>, vector<16xf32>,
      tpu.vector_store %arg7[%swap3A_136], %add3A_135 {strides = array<i32>} : memref<40000xf32, #tpu.memory_space<vmem>>, vector<16xf32>,
    }
    %scan3A_62 = arith.constant 625 : i32
    "tpu.region"() ({
      %run_scoped3A = tpu.sem_alloc : memref<!tpu.dma_semaphore, #tpu.memory_space<semaphore_mem>>
      %dma_start3A = tpu.memref_slice %arg6[%mul3A_4] : memref<1280000xf32, #tpu.memory_space<hbm>> -> memref<40000xf32, #tpu.memory_space<hbm>>
      %dma_start3A_63 = tpu.memref_slice %arg6[%mul3A_4] : memref<1280000xf32, #tpu.memory_space<hbm>> -> memref<40000xf32, #tpu.memory_space<hbm>>
      tpu.enqueue_dma source(%arg7 : memref<40000xf32, #tpu.memory_space<vmem>>) target(%dma_start3A_63 : memref<40000xf32, #tpu.memory_space<hbm>>) target_semaphore(%run_scoped3A : memref<!tpu.dma_semaphore, #tpu.memory_space<semaphore_mem>>)
      %dma_wait3A = tpu.memref_slice %arg6[%mul3A_4] : memref<1280000xf32, #tpu.memory_space<hbm>> -> memref<40000xf32, #tpu.memory_space<hbm>>
      %dma_wait3A_64 = tpu.memref_slice %arg6[%mul3A_4] : memref<1280000xf32, #tpu.memory_space<hbm>> -> memref<40000xf32, #tpu.memory_space<hbm>>
      tpu.wait_dma2 semaphore(%run_scoped3A : memref<!tpu.dma_semaphore, #tpu.memory_space<semaphore_mem>>) src(%arg7 : memref<40000xf32, #tpu.memory_space<vmem>>) dst(%dma_wait3A_64 : memref<40000xf32, #tpu.memory_space<hbm>>)
      tpu.yield
    }) : () -> ()
    return
  }
}

module attributes {stable_mosaic.version = 14 : i64} {
  func.func @_sim_body(%arg0: i32, %arg1: memref<512x128xf32, #tpu.memory_space<vmem>>, %arg2: memref<1x128xf32, #tpu.memory_space<vmem>>, %arg3: memref<1x8x64xf32, #tpu.memory_space<vmem>>) attributes {dimension_semantics = [#tpu.dimension_semantics<arbitrary>], iteration_bounds = array<i64: 625>, scalar_prefetch = 0 : i64, scratch_operands = 0 : i64, tpu.core_type = #tpu.core_type<tc>, window_params = [{transform_indices = @transform_0, window_bounds = array<i64: 512, 128>}, {pipeline_mode = #tpu.pipeline_mode<synchronous>, transform_indices = @transform_1, window_bounds = array<i64: 1, 128>}, {transform_indices = @transform_2, window_bounds = array<i64: 1, 8, 64>}]} {
    %get3A = arith.constant 0 : index
    %get3A_0 = arith.constant 0 : index
    %get3A_1 = vector.load %arg1[%get3A, %get3A_0] : memref<512x128xf32, #tpu.memory_space<vmem>>, vector<512x128xf32>
    %get3A_2 = arith.constant 0 : index
    %get3A_3 = arith.constant 0 : index
    %get3A_4 = vector.load %arg2[%get3A_2, %get3A_3] : memref<1x128xf32, #tpu.memory_space<vmem>>, vector<1x128xf32>
    %mul3A = arith.mulf %get3A_4, %get3A_4 : vector<1x128xf32>
    %reduce_sum3A = vector.shape_cast %mul3A : vector<1x128xf32> to vector<1x1x128xf32>
    %reduce_sum3A_5 = arith.constant dense<0.000000e+00> : vector<1xf32>
    %reduce_sum3A_6 = vector.multi_reduction <add>, %reduce_sum3A, %reduce_sum3A_5 [1, 2] : vector<1x1x128xf32> to vector<1xf32>
    %reduce_sum3A_7 = vector.shape_cast %reduce_sum3A_6 : vector<1xf32> to vector<1x1x1xf32>
    %reduce_sum3A_8 = vector.extract %reduce_sum3A_7[0, 0, 0] : f32 from vector<1x1x1xf32>
    %sqrt3A = math.sqrt %reduce_sum3A_8 : f32
    %max3A = arith.constant 9.99999996E-13 : f32
    %max3A_9 = arith.maximumf %sqrt3A, %max3A : f32
    %mul3A_10 = vector.broadcast %get3A_4 : vector<1x128xf32> to vector<512x128xf32>
    %mul3A_11 = arith.mulf %get3A_1, %mul3A_10 : vector<512x128xf32>
    %reduce_sum3A_12 = arith.constant dense<0.000000e+00> : vector<512xf32>
    %reduce_sum3A_13 = vector.multi_reduction <add>, %mul3A_11, %reduce_sum3A_12 [1] : vector<512x128xf32> to vector<512xf32>
    %mul3A_14 = arith.mulf %get3A_1, %get3A_1 : vector<512x128xf32>
    %reduce_sum3A_15 = arith.constant dense<0.000000e+00> : vector<512xf32>
    %reduce_sum3A_16 = vector.multi_reduction <add>, %mul3A_14, %reduce_sum3A_15 [1] : vector<512x128xf32> to vector<512xf32>
    %sqrt3A_17 = math.sqrt %reduce_sum3A_16 : vector<512xf32>
    %max3A_18 = arith.constant 9.99999996E-13 : f32
    %max3A_19 = vector.broadcast %max3A_18 : f32 to vector<512xf32>
    %max3A_20 = arith.maximumf %sqrt3A_17, %max3A_19 : vector<512xf32>
    %mul3A_21 = vector.broadcast %max3A_9 : f32 to vector<512xf32>
    %mul3A_22 = arith.mulf %max3A_20, %mul3A_21 : vector<512xf32>
    %div3A = arith.divf %reduce_sum3A_13, %mul3A_22 : vector<512xf32>
    %reshape3A = vector.shape_cast %div3A : vector<512xf32> to vector<1x8x64xf32>
    %swap3A = arith.constant 0 : index
    %swap3A_23 = arith.constant 0 : index
    %swap3A_24 = arith.constant 0 : index
    %swap3A_25 = vector.load %arg3[%swap3A, %swap3A_23, %swap3A_24] : memref<1x8x64xf32, #tpu.memory_space<vmem>>, vector<1x8x64xf32>
    tpu.vector_store %arg3[%swap3A, %swap3A_23, %swap3A_24], %reshape3A {strides = array<i32>} : memref<1x8x64xf32, #tpu.memory_space<vmem>>, vector<1x8x64xf32>,
    return
  }
  func.func @transform_0(%arg0: i32) -> (i32, i32) {
    %c0_i32 = arith.constant 0 : i32
    %c0_i32_0 = arith.constant 0 : i32
    return %arg0, %c0_i32 : i32, i32
  }
  func.func @transform_1(%arg0: i32) -> (i32, i32) {
    %c0_i32 = arith.constant 0 : i32
    %c0_i32_0 = arith.constant 0 : i32
    %c0_i32_1 = arith.constant 0 : i32
    return %c0_i32, %c0_i32_0 : i32, i32
  }
  func.func @transform_2(%arg0: i32) -> (i32, i32, i32) {
    %c0_i32 = arith.constant 0 : i32
    %c0_i32_0 = arith.constant 0 : i32
    %c0_i32_1 = arith.constant 0 : i32
    return %arg0, %c0_i32, %c0_i32_0 : i32, i32, i32
  }
}

</mosaic_0001>

<sc_bundles>
// kernel: kernel.4.cloned.1.call-start
scs
__scs_entry_jumppad:
0x0: {  	(pc) =	sbr.rel $0x88, $3  }
0x1: {  	(tag) =	ssettag $0x0;
	lr =	simm.s32 $0x1  }
0x2: {  	[smem:$0x3F9D] =	sst lr;
	_ =	strace $0xD0000000  }
0x3: {  	_ = 	snop  }
0x4: {  	_ = 	snop  }
0x5: {  	_ = 	snop  }
0x6: {  	_ = 	snop  }
0x7: {  	_ = 	snop  }
__scs_overlays_trampoline_lowered:
0x8: {  	[smem:$0x3FAC] =	sst s0  }
0x9: {  	[smem:$0x3FAD] =	sst s1  }
0xa: {  	[smem:$0x3FAE] =	sst s2  }
0xb: {  	[smem:$0x3FAF] =	sst s3  }
0xc: {  	[smem:$0x3FB0] =	sst s4  }
0xd: {  	[smem:$0x3FB1] =	sst s5  }
0xe: {  	[smem:$0x3FB2] =	sst s6  }
0xf: {  	[smem:$0x3FB3] =	sst s7  }
0x10: {  	[smem:$0x3FB4] =	sst s8  }
0x11: {  	[smem:$0x3FB5] =	sst s9;
	s0 =	simm.s32 @!p0 $0x0  }
0x12: {  	s1 =	sld [smem:$0x3F9B];
	s0 =	simm.s32 @p0 $0x1  }
0x13: {  	[smem:$0x3FB6] =	sst s0;
	s0 =	simm.s32 @!p1 $0x0  }
0x14: {  	s2 =	sld [smem:$0x3F9A];
	s0 =	simm.s32 @p1 $0x1  }
0x15: {  	[smem:$0x3FB7] =	sst s0;
	s0 =	simm.s32 @!p2 $0x0  }
0x16: {  	s3 =	sld [smem:$0x3FDB];
	s0 =	simm.s32 @p2 $0x1  }
0x17: {  	s4 =	simm.s32 $0x1BF5;
	[smem:$0x3FB9] =	sst s0  }
0x18: {  	s0 =	sld [smem:$0x3F9C];
	_ =	swait.ge [sflag:s4], $0x0  }
0x19: {  	s7 =	sld [smem:$0x3F9D]  }
0x1a: {  	s8 =	sadd.s32 $0xFFFFE003, lr  }
0x1b: {  	s9 =	sadd.s32 $0xFFFFFEF7, lr;
	s5 =	simm.s32 $0xFFFFFFFF;
	p2 =	slt.u32 s8, $0xFFFFF086  }
0x1c: {  	p1 =	slt.u32 s9, $0xF7A;
	s5 =	simm.s32 @!p2 $0x0  }
0x1d: {  	s5 =	simm.s32 @p1 $0x1;
	p0 =	seq.s32 s7, s2  }
0x1e: {  	s7 =	smul.u32 @!p0 $0xF7A, s2;
	p2 =	seq.s32 @!p0 s5, $0x0  }
0x1f: {  	s9 =	smul.u32 $0xF7A, s1;
	s8 =	simm.s32 @!p0 $0x1BF5;
	p2 =	por !p2, p0  }
0x20: {  	[sflag:s8] =	ssyncset.s32 @!p0 $0xFFFFF086;
	s6 =	sadd.s32 @!p0 s3, s7;
	s7 =	simm.s32 @!p0 $0x108  }
0x21: {  	s3 =	sadd.s32 s3, s9;
	s6 =	sadd.s32 @!p0 $0x88, s6;
	s7 =	simm.s32 @p2 $0x1082  }
0x22: {  	[simem:s7], [sflag:s8] =	dma.local @!p0 [hbm:s6], $0xF7A  }
0x23: {  	s9 =	sor.u32 $0xD0000000, s2;
	s6 =	simm.s32 $0x108;
	_ =	swait.ge @!p0 [sflag:s8], $0x0  }
0x24: {  	s3 =	sadd.s32 $0x88, s3;
	s6 =	simm.s32 @!p1 $0x1082;
	[sflag:s4] =	ssyncset.s32 $0xFFFFF086  }
0x25: {  	[simem:s6], [sflag:s4] =	dma.local [hbm:s3], $0xF7A  }
0x26: {  	[smem:$0x3F9D] =	sst s1;
	(tag) =	ssettag s2;
	_ =	strace s9  }
0x27: {  	s1 =	sld [smem:$0x3FAD]  }
0x28: {  	s2 =	sld [smem:$0x3FAE]  }
0x29: {  	s4 =	sld [smem:$0x3FB0]  }
0x2a: {  	p0 =	seq.s32 s5, $0x0;
	s5 =	sld [smem:$0x3FB1]  }
0x2b: {  	s6 =	sld [smem:$0x3FB2]  }
0x2c: {  	s7 =	sld [smem:$0x3FB3]  }
0x2d: {  	s3 =	simm.s32 $0x108;
	s8 =	sld [smem:$0x3FB4]  }
0x2e: {  	s3 =	simm.s32 @!p0 $0x1082;
	s9 =	sld [smem:$0x3FB5]  }
0x2f: {  	lr =	sadd.s32 s0, s3;
	s0 =	sld [smem:$0x3FAC]  }
0x30: {  	s3 =	sld [smem:$0x3FAF]  }
0x31: {  	[smem:$0x3FB8] =	sst s10  }
0x32: {  	s10 =	sld [smem:$0x3FB6];
	_ =	sdelay $0x3  }
0x33: {  	p0 =	seq.s32 s10, $0x1;
	s10 =	sld [smem:$0x3FB8];
	_ =	sdelay $0x3  }
0x34: {  	[smem:$0x3FB8] =	sst s10  }
0x35: {  	s10 =	sld [smem:$0x3FB7];
	_ =	sdelay $0x3  }
0x36: {  	p1 =	seq.s32 s10, $0x1;
	s10 =	sld [smem:$0x3FB8];
	_ =	sdelay $0x3  }
0x37: {  	[smem:$0x3FB8] =	sst s10  }
0x38: {  	s10 =	sld [smem:$0x3FB9]  }
0x39: {  	_ = 	snop;
	(pc) =	sbr.ind lr, $3  }
0x3a: {  	_ = 	snop  }
0x3b: {  	_ = 	snop  }
0x3c: {  	p2 =	seq.s32 s10, $0x1;
	s10 =	sld [smem:$0x3FB8]  }
0x3d: {  	_ =	shalt  }
0x3e: {  	_ =	shalt  }
0x3f: {  	_ =	shalt  }
0x40: {  	_ =	shalt  }
0x41: {  	_ =	shalt  }
0x42: {  	_ =	shalt  }
0x43: {  	_ =	shalt  }
0x44: {  	_ =	shalt  }
0x45: {  	_ =	shalt  }
0x46: {  	_ =	shalt  }
0x47: {  	_ =	shalt  }
0x48: {  	_ =	shalt  }
0x49: {  	_ =	shalt  }
0x4a: {  	_ =	shalt  }
0x4b: {  	_ =	shalt  }
0x4c: {  	_ =	shalt  }
0x4d: {  	_ =	shalt  }
0x4e: {  	_ =	shalt  }
0x4f: {  	_ =	shalt  }
0x50: {  	_ =	shalt  }
0x51: {  	_ =	shalt  }
0x52: {  	_ =	shalt  }
0x53: {  	_ =	shalt  }
0x54: {  	_ =	shalt  }
0x55: {  	_ =	shalt  }
0x56: {  	_ =	shalt  }
0x57: {  	_ =	shalt  }
0x58: {  	_ =	shalt  }
0x59: {  	_ =	shalt  }
0x5a: {  	_ =	shalt  }
0x5b: {  	_ =	shalt  }
0x5c: {  	_ =	shalt  }
0x5d: {  	_ =	shalt  }
0x5e: {  	_ =	shalt  }
0x5f: {  	_ =	shalt  }
0x60: {  	_ =	shalt  }
0x61: {  	_ =	shalt  }
0x62: {  	_ =	shalt  }
0x63: {  	_ =	shalt  }
0x64: {  	_ =	shalt  }
0x65: {  	_ =	shalt  }
0x66: {  	_ =	shalt  }
0x67: {  	_ =	shalt  }
0x68: {  	_ =	shalt  }
0x69: {  	_ =	shalt  }
0x6a: {  	_ =	shalt  }
0x6b: {  	_ =	shalt  }
0x6c: {  	_ =	shalt  }
0x6d: {  	_ =	shalt  }
0x6e: {  	_ =	shalt  }
0x6f: {  	_ =	shalt  }
0x70: {  	_ =	shalt  }
0x71: {  	_ =	shalt  }
0x72: {  	_ =	shalt  }
0x73: {  	_ =	shalt  }
0x74: {  	_ =	shalt  }
0x75: {  	_ =	shalt  }
0x76: {  	_ =	shalt  }
0x77: {  	_ =	shalt  }
0x78: {  	_ =	shalt  }
0x79: {  	_ =	shalt  }
0x7a: {  	_ =	shalt  }
0x7b: {  	_ =	shalt  }
0x7c: {  	_ =	shalt  }
0x7d: {  	_ =	shalt  }
0x7e: {  	_ =	shalt  }
0x7f: {  	_ =	shalt  }
0x80: {  	_ =	shalt  }
0x81: {  	_ =	shalt  }
0x82: {  	_ =	shalt  }
0x83: {  	_ =	shalt  }
0x84: {  	_ =	shalt  }
0x85: {  	_ =	shalt  }
0x86: {  	_ =	shalt  }
0x87: {  	_ =	shalt  }
.Lfunc_end0:
.L_simem_size_0:
called_computation_lowered:
.L_overlay_start_0:
0x88: {  	s2 =	sld [smem:$0x3FD9]  }
0x89: {  	s3 =	sld [smem:$0x3FFE];
	_ =	sdelay $0x1  }
0x8a: {  	s1 =	srdreg.scid  }
0x8b: {  	s0 =	sand.u32 $0x1, s1  }
0x8c: {  	s17 =	sshll.u32 s0, $0xA;
	s2 =	sadd.s32 s3, s2  }
0x8d: {  	s2 =	sadd.s32 s2, s17  }
0x8e: {  	[smem:$0x3FC4] =	sst s2  }
0x8f: {  	_ = 	snop  }
0x90: {  	s2 =	sld [smem:$0x3FD0];
	(tm) =	ssettm $0x1  }
0x91: {  	s18 =	sld [smem:$0x3FFB];
	_ =	sdelay $0x3  }
0x92: {  	_ =	strace s18  }
0x93: {  	s3 =	sld [smem:$0x3FFC];
	_ =	sdelay $0x3  }
0x94: {  	_ =	strace s3  }
0x95: {  	s3 =	sld [smem:$0x3FFD];
	_ =	sdelay $0x3  }
0x96: {  	_ =	strace s3  }
0x97: {  	_ =	strace $0x8FFFFFFF  }
0x98: {  	s19 =	sld [smem:$0x3FDB];
	_ =	sdelay $0x1  }
0x99: {  	s4 =	simm.s32 $_scs_section_size  }
0x9a: {  	s5 =	simm.s32 $_size__tile_overlayer_lowered;
	s6 =	simm.s32 $_tile_overlayer_lowered  }
0x9b: {  	s22 =	simm.s32 $0x1BFF;
	s21 =	sshll.u32 s6, $0x1;
	s3 =	sadd.s32 s4, s19  }
0x9c: {  	s7 =	simm.s32 $0x0;
	s20 =	sshll.u32 s5, $0x1;
	s5 =	sadd.s32 s21, s3  }
0x9d: {  	[timem:s7], [sflag:s22] =	dma.local [hbm:s5], s20  }
0x9e: {  	_ =	swait.ge [sflag:s22], s20  }
0x9f: {  	s4 =	ssub.s32 $0x0, s20;
	[sflag:s22] =	ssyncset.done $0x0  }
0xa0: {  	[sflag:s22] =	ssyncadd.s32 s4;
	_ =	sdelay $0x1  }
0xa1: {  	s23 =	simm.s32 $0x1B8B  }
0xa2: {  	_ =	swait.ge [sflag:s23], $0x1  }
0xa3: {  	[sflag:s23] =	ssyncset.done $0x0  }
0xa4: {  	s25 =	simm.s32 $0x1B8E;
	s24 =	sld [smem:$0x3FFE];
	[sflag:s23] =	ssyncadd.s32 $0xFFFFFFFF  }
0xa5: {  	s26 =	simm.s32 $execute0_lowered;
	[smem:$0x3FD2] =	sst s25  }
0xa6: {  	s5 =	sshll.u32 s26, $0x1;
	_ =	strace $0x80000046;
	[dreg:$0x1] =	wrdreg $0xFFFFFFFF  }
0xa7: {  	s28 =	simm.s32 $_size_execute0_lowered;
	s3 =	sadd.s32 s3, s5;
	[dreg:$0x0] =	wrdreg $0x0  }
0xa8: {  	s5 =	sshll.u32 s28, $0x1;
	[dreg:$0x2] =	wrdreg s3  }
0xa9: {  	[dreg:$0x3] =	wrdreg s5  }
0xaa: {  	[dreg:$0x4] =	wrdreg $0xC0  }
0xab: {  	_ =	task [dreg:s7], $0x5FFFF  }
0xac: {  	[dreg:$0x1] =	wrdreg $0xFFFFFFFF  }
0xad: {  	[dreg:$0x0] =	wrdreg $0x60  }
0xae: {  	[dreg:$0x2] =	wrdreg s2  }
0xaf: {  	[dreg:$0x3] =	wrdreg s24  }
0xb0: {  	[dreg:$0x4] =	wrdreg $0x9  }
0xb1: {  	_ =	task.clear_ibuf [dreg:s7], $0x5FFFF;
	_ =	strace $0x90000046  }
0xb2: {  	s29 =	simm.s32 $0x9;
	_ =	strace $0x80000048  }
0xb3: {  	_ =	swait.ge [sflag:s29], $0x1  }
0xb4: {  	[sflag:s29] =	ssyncadd.s32 $0xFFFFFFFF  }
0xb5: {  	_ =	strace $0x90000048  }
0xb6: {  	_ =	sfence  }
0xb7: {  	s30 =	sld [smem:$0x0];
	_ =	sdelay $0x2  }
0xb8: {  	s31 =	sshll.u32 s1, $0xD;
	s1 =	sshrl.u32 s1, $0x2  }
0xb9: {  	s3 =	sand.u32 $0x4000, s31;
	s1 =	sadd.s32 s1, s30  }
0xba: {  	s0 =	sor.u32 s3, s0;
	s1 =	sshll.u32 s1, $0x11  }
0xbb: {  	s0 =	sor.u32 s1, s0  }
0xbc: {  	s0 =	sadd.s32 $0x8F2B, s0  }
0xbd: {  	[sflag:s0] =	ssyncadd.remote.s32 $0x1  }
0xbe: {  	_ =	sfence.sel $0xFFFF  }
0xbf: {  	[dreg:$0x0] =	wrdreg $0xFFFFFFFF;
	(pc) =	sbr.abs _section_cstart, $3  }
0xc0: {  	[dreg:$0x1] =	wrdreg $0xFFFFFFFF  }
0xc1: {  	_ =	task.clear_ibuf [dreg:s7], $0x2FFFF;
	_ =	strace $0x9FFFFFFF  }
0xc2: {  	(tm) =	ssettm $0x7FFFFFFF  }
0xc3: {  	_ =	shalt  }
tec
execute0_lowered:
.L_overlay_start_1:
0x0: {  	(tag) =	ssettag $0x1  }
0x1: {  	s6 =	rddreg [dreg:$0x0];
	s1 =	srdreg.scid  }
0x2: {  	s0 =	stileid.u32;
	s2 =	rddreg [dreg:$0x1];
	s3 =	simm.s32 $0x0  }
0x3: {  	s11 =	simm.s32 $0x18000;
	s12 =	simm.s32 $0x19F80;
	s13 =	simm.s32 $0x1  }
0x4: {  	s14 =	simm.s32 $0x9C80;
	s15 =	simm.s32 $0x13900;
	s16 =	simm.s32 $0x0  }
0x5: {  	s5 =	sand.u32 $0x1, s1;
	s4 =	sshll.u32 s0, $0x1;
	s1 =	rddreg [dreg:$0x2]  }
0x6: {  	[smem:$0x7FF] =	sst s3;
	s4 =	sor.u32 s5, s4;
	s8 =	ssub.s32 $0x2, s5  }
0x7: {  	_ =	strace $0x80000047;
	s7 =	smul.u32 $0x1388, s4;
	s10 =	sshrl.u32 s8, $0x1  }
0x8: {  	s5 =	sadd.s32 $0x13C00, s2;
	s4 =	sadd.s32 $0x9E00, s2;
	s8 =	ssub.s32 s8, s10  }
0x9: {  	s10 =	simm.s32 $0x16080;
	s9 =	sadd.s32 s7, s2;
	s6 =	sadd.s32 s6, s7  }
0xa: {  	v0 =	vimm.f32 $0.0e+00;
	v1 =	vimm.f32 $1.000000000e+00;
	s8 =	smax.u32 s8, $0x1;
	s7 =	sadd.s32 $0x1DA00, s9;
	s9 =	simm.s32 $0x2  }
.LBB2_1:
0xb: {  	[tilespmem:s3], [sflag:$0x2] =	stream.linear.gather [hbm4b:s6+s3], $0x9C40, $0x38;
	[tilespmem:$0x1BF00] =	vst v63  }
0xc: {  	_ =	swait.ge [sflag:s9], $0x9C40  }
0xd: {  	[sflag:s9] =	ssyncset.done $0x0  }
0xe: {  	s17 =	simm.s32 $0x40;
	s18 =	simm.s32 $0x0;
	[sflag:s9] =	ssyncadd.s32 $0xFFFF63C0  }
.LBB2_2:
0xf: {  	p0 =	sne.s32 s17, $0x9C00;
	[tilespmem:s18+$0x13900] =	vst v0;
	s18 =	smov.u32 s17;
	s17 =	sadd.s32 $0x40, s17  }
.Ltmp0:
0x10: {  	(pc) =	sbr.rel @p0 .LBB2_2-.Ltmp0, $2  }
0x11: {  	_ =	sdelay $0x2  }
0x12: {  	s18 =	sshra.s32 s18, $0x2  }
0x13: {  	[tilespmem:s18+$0x13900] =	vst v0;
	s17 =	simm.s32 $0x0;
	s18 =	simm.s32 $0x40;
	s19 =	simm.s32 $0x0  }
.LBB2_4:
0x14: {  	p0 =	sne.s32 s18, $0x270C0;
	[tilespmem:s19+$0x9C80] =	vst v0;
	s19 =	smov.u32 s18;
	s18 =	sadd.s32 $0x40, s18  }
.Ltmp1:
0x15: {  	(pc) =	sbr.rel @p0 .LBB2_4-.Ltmp1, $2  }
0x16: {  	_ =	sdelay $0x2  }
0x17: {  	s19 =	sshra.s32 s19, $0x2  }
0x18: {  	[tilespmem:s19+$0x9C80] =	vst v0  }
.LBB2_6:
0x19: {  	s18 =	smul.u32 $0x3E8, s17;
	_ =	sdelay $0x1  }
0x1a: {  	s20 =	simm.s32 $0x0;
	s19 =	sadd.s32 s4, s18  }
0x1b: {  	[tilespmem:s10], [sflag:$0x1] =	stream.linear.gather [hbm4b:s19+s20], $0x1F40, $0x38;
	[tilespmem:$0x1BF00] =	vst v63  }
0x1c: {  	s30 =	sadd.s32 s2, s18  }
0x1d: {  	[tilespmem:s11], [sflag:$0x1] =	stream.linear.gather [hbm4b:s30+s20], $0x1F40, $0x38;
	[tilespmem:$0x1BF00] =	vst v63  }
0x1e: {  	s18 =	sadd.s32 s5, s18  }
0x1f: {  	[tilespmem:s12], [sflag:$0x1] =	stream.linear.gather [hbm4b:s18+s20], $0x1F40, $0x38;
	[tilespmem:$0x1BF00] =	vst v63  }
0x20: {  	_ =	swait.ge [sflag:s13], $0x1F40  }
0x21: {  	[sflag:s13] =	ssyncset.done $0x0  }
0x22: {  	[sflag:s13] =	ssyncadd.s32 $0xFFFFE0C0  }
0x23: {  	_ =	swait.ge [sflag:s13], $0x1F40  }
0x24: {  	[sflag:s13] =	ssyncset.done $0x0  }
0x25: {  	[sflag:s13] =	ssyncadd.s32 $0xFFFFE0C0  }
0x26: {  	_ =	swait.ge [sflag:s13], $0x1F40  }
0x27: {  	[sflag:s13] =	ssyncset.done $0x0  }
0x28: {  	s31 =	simm.s32 $0x0;
	[sflag:s13] =	ssyncadd.s32 $0xFFFFE0C0  }
0x29: {  	v3 =	vld [tilespmem:s31+$0x16080];
	_ =	sdelay $0x5  }
0x2a: {  	v2 =	vld [tilespmem:s31+$0x18000]  }
0x2b: {  	v5 =	vld [tilespmem:s31+$0x19F80]  }
0x2c: {  	v4 =	vld.idx.msk [tilespmem:v3+s3+$0x0], $0xffff;
	_ =	sdelay $0x2  }
0x2d: {  	v6 =	vadd.s32 $0x2710, v3;
	_ =	sdelay $0x1  }
0x2e: {  	v4 =	vmul.f32 v4, v5;
	_ =	sdelay $0x1  }
0x2f: {  	[tilespmem:v2+s14+$0x0] =	vst.idx.add.f32.msk $0xffff, v4  }
0x30: {  	v4 =	vld.idx.msk [tilespmem:v6+s3+$0x0], $0xffff;
	_ =	sdelay $0x1  }
0x31: {  	v61 =	vadd.s32 $0x2710, v2  }
0x32: {  	v7 =	vadd.s32 $0x4E20, v3;
	_ =	sdelay $0x1  }
0x33: {  	v4 =	vmul.f32 v4, v5;
	_ =	sdelay $0x1  }
0x34: {  	[tilespmem:v61+s14+$0x0] =	vst.idx.add.f32.msk $0xffff, v4  }
0x35: {  	v4 =	vld.idx.msk [tilespmem:v7+s3+$0x0], $0xffff;
	_ =	sdelay $0x1  }
0x36: {  	v62 =	vadd.s32 $0x4E20, v2  }
0x37: {  	v3 =	vadd.s32 $0x7530, v3;
	_ =	sdelay $0x1  }
0x38: {  	v4 =	vmul.f32 v4, v5;
	_ =	sdelay $0x1  }
0x39: {  	[tilespmem:v62+s14+$0x0] =	vst.idx.add.f32.msk $0xffff, v4  }
0x3a: {  	v3 =	vld.idx.msk [tilespmem:v3+s3+$0x0], $0xffff;
	_ =	sdelay $0x1  }
0x3b: {  	v63 =	vadd.s32 $0x7530, v2;
	_ =	sdelay $0x2  }
0x3c: {  	v3 =	vmul.f32 v3, v5;
	_ =	sdelay $0x1  }
0x3d: {  	s19 =	simm.s32 $0x80;
	s18 =	simm.s32 $0x40;
	[tilespmem:v63+s14+$0x0] =	vst.idx.add.f32.msk $0xffff, v3  }
.LBB2_7:
0x3e: {  	p0 =	sne.s32 s19, $0x7CC0  }
0x3f: {  	s20 =	sshra.s32 s18, $0x2;
	[tilespmem:v2+s15+$0x0] =	vst.idx.add.f32.msk $0xffff, v1;
	s18 =	smov.u32 s19;
	s19 =	sadd.s32 $0x40, s19  }
0x40: {  	v3 =	vld [tilespmem:s20+$0x16080];
	_ =	sdelay $0x6  }
0x41: {  	v2 =	vld [tilespmem:s20+$0x18000]  }
0x42: {  	v4 =	vld.idx.msk [tilespmem:v3+s3+$0x0], $0xffff  }
0x43: {  	v5 =	vld [tilespmem:s20+$0x19F80];
	_ =	sdelay $0x2  }
0x44: {  	v6 =	vadd.s32 $0x2710, v3;
	_ =	sdelay $0x1  }
0x45: {  	v4 =	vmul.f32 v4, v5;
	_ =	sdelay $0x1  }
0x46: {  	[tilespmem:v2+s14+$0x0] =	vst.idx.add.f32.msk $0xffff, v4  }
0x47: {  	v4 =	vld.idx.msk [tilespmem:v6+s3+$0x0], $0xffff;
	_ =	sdelay $0x2  }
0x48: {  	v6 =	vadd.s32 $0x2710, v2  }
0x49: {  	v7 =	vadd.s32 $0x4E20, v3;
	_ =	sdelay $0x1  }
0x4a: {  	v4 =	vmul.f32 v4, v5;
	_ =	sdelay $0x1  }
0x4b: {  	[tilespmem:v6+s14+$0x0] =	vst.idx.add.f32.msk $0xffff, v4  }
0x4c: {  	v4 =	vld.idx.msk [tilespmem:v7+s3+$0x0], $0xffff;
	_ =	sdelay $0x2  }
0x4d: {  	v6 =	vadd.s32 $0x4E20, v2  }
0x4e: {  	v3 =	vadd.s32 $0x7530, v3;
	_ =	sdelay $0x1  }
0x4f: {  	v4 =	vmul.f32 v4, v5;
	_ =	sdelay $0x1  }
0x50: {  	[tilespmem:v6+s14+$0x0] =	vst.idx.add.f32.msk $0xffff, v4  }
0x51: {  	v3 =	vld.idx.msk [tilespmem:v3+s3+$0x0], $0xffff;
	_ =	sdelay $0x2  }
0x52: {  	v4 =	vadd.s32 $0x7530, v2  }
.Ltmp2:
0x53: {  	(pc) =	sbr.rel @p0 .LBB2_7-.Ltmp2, $3  }
0x54: {  	_ = 	snop  }
0x55: {  	v3 =	vmul.f32 v3, v5;
	_ =	sdelay $0x1  }
0x56: {  	[tilespmem:v4+s14+$0x0] =	vst.idx.add.f32.msk $0xffff, v3  }
0x57: {  	_ =	sdelay $0x3  }
0x58: {  	s18 =	sshra.s32 s18, $0x2;
	[tilespmem:v2+s15+$0x0] =	vst.idx.add.f32.msk $0xffff, v1  }
0x59: {  	v2 =	vld [tilespmem:s18+$0x16080];
	_ =	sdelay $0x5  }
0x5a: {  	v3 =	vld [tilespmem:s18+$0x18000]  }
0x5b: {  	v5 =	vld [tilespmem:s18+$0x19F80]  }
0x5c: {  	v4 =	vld.idx.msk [tilespmem:v2+s3+$0x0], $0xffff;
	_ =	sdelay $0x2  }
0x5d: {  	v6 =	vadd.s32 $0x2710, v2;
	_ =	sdelay $0x1  }
0x5e: {  	v4 =	vmul.f32 v4, v5;
	_ =	sdelay $0x1  }
0x5f: {  	[tilespmem:v3+s14+$0x0] =	vst.idx.add.f32.msk $0xffff, v4  }
0x60: {  	v4 =	vld.idx.msk [tilespmem:v6+s3+$0x0], $0xffff;
	_ =	sdelay $0x1  }
0x61: {  	v61 =	vadd.s32 $0x2710, v3  }
0x62: {  	v7 =	vadd.s32 $0x4E20, v2;
	_ =	sdelay $0x1  }
0x63: {  	v4 =	vmul.f32 v4, v5;
	_ =	sdelay $0x1  }
0x64: {  	[tilespmem:v61+s14+$0x0] =	vst.idx.add.f32.msk $0xffff, v4  }
0x65: {  	v4 =	vld.idx.msk [tilespmem:v7+s3+$0x0], $0xffff;
	_ =	sdelay $0x1  }
0x66: {  	v62 =	vadd.s32 $0x4E20, v3  }
0x67: {  	v2 =	vadd.s32 $0x7530, v2;
	_ =	sdelay $0x1  }
0x68: {  	v4 =	vmul.f32 v4, v5;
	_ =	sdelay $0x1  }
0x69: {  	[tilespmem:v62+s14+$0x0] =	vst.idx.add.f32.msk $0xffff, v4  }
0x6a: {  	v2 =	vld.idx.msk [tilespmem:v2+s3+$0x0], $0xffff;
	_ =	sdelay $0x1  }
0x6b: {  	s17 =	sadd.s32 $0x1, s17;
	v63 =	vadd.s32 $0x7530, v3  }
0x6c: {  	p0 =	sne.s32 s17, $0x28  }
.Ltmp3:
0x6d: {  	_ = 	snop;
	(pc) =	sbr.rel @p0 .LBB2_6-.Ltmp3, $3  }
0x6e: {  	v2 =	vmul.f32 v2, v5;
	_ =	sdelay $0x1  }
0x6f: {  	[tilespmem:v63+s14+$0x0] =	vst.idx.add.f32.msk $0xffff, v2  }
0x70: {  	s18 =	simm.s32 $0x0;
	[tilespmem:v3+s15+$0x0] =	vst.idx.add.f32.msk $0xffff, v1  }
0x71: {  	s17 =	sshra.s32 s18, $0x2;
	s18 =	sadd.s32 $0x40, s18  }
.LBB2_10:
0x72: {  	p0 =	sne.s32 s18, $0x9C00;
	v2 =	vld [tilespmem:s17+$0x13900];
	_ =	sdelay $0x4  }
0x73: {  	v2 =	vmax.f32 v2, $1.000000000e+00  }
0x74: {  	(erf) = vrcp.f32 v2;
	_ =	sdelay $0x5  }
.Ltmp4:
0x75: {  	(pc) =	sbr.rel @p0 .LBB2_10-.Ltmp4, $3  }
0x76: {  	_ =	sdelay $0x1  }
0x77: {  	v2 =	vpop (erf)  }
0x78: {  	[tilespmem:s17+$0x13900] =	vst v2;
	s17 =	sshra.s32 s18, $0x2;
	s18 =	sadd.s32 $0x40, s18  }
0x79: {  	v2 =	vld [tilespmem:s17+$0x13900];
	_ =	sdelay $0x4  }
0x7a: {  	v2 =	vmax.f32 v2, $1.000000000e+00  }
0x7b: {  	(erf) = vrcp.f32 v2;
	_ =	sdelay $0x8  }
0x7c: {  	v2 =	vpop (erf)  }
0x7d: {  	s18 =	simm.s32 $0x0;
	[tilespmem:s17+$0x13900] =	vst v2  }
0x7e: {  	v4 =	vld [tilespmem:s18+$0x13900]  }
0x7f: {  	v2 =	vld [tilespmem:s18+$0x9C80]  }
0x80: {  	v3 =	vld [tilespmem:s18+$0xC390]  }
0x81: {  	v5 =	vld [tilespmem:s18+$0xEAA0]  }
0x82: {  	v7 =	vld [tilespmem:s18+$0x0]  }
0x83: {  	v6 =	vld [tilespmem:s18+$0x111B0]  }
0x84: {  	v8 =	vld [tilespmem:s18+$0x2710]  }
0x85: {  	v9 =	vld [tilespmem:s18+$0x4E20]  }
0x86: {  	v11 =	vld [tilespmem:s18+$0x7530];
	v10 =	vmul.f32 v2, v4;
	v12 =	vmul.f32 v3, v4  }
0x87: {  	s17 =	simm.s32 $0x10;
	v7 =	vmul.f32 $5.000000000e-01, v7;
	v13 =	vmul.f32 v5, v4  }
0x88: {  	v2 =	vld [tilespmem:s17+$0x13900];
	v14 =	vmul.f32 v6, v4;
	v10 =	vmul.f32 $5.000000000e-01, v10  }
0x89: {  	v3 =	vld [tilespmem:s17+$0x9C80];
	v8 =	vmul.f32 $5.000000000e-01, v8;
	v12 =	vmul.f32 $5.000000000e-01, v12  }
0x8a: {  	v4 =	vld [tilespmem:s17+$0xC390];
	v9 =	vmul.f32 $5.000000000e-01, v9;
	v7 =	vadd.f32 v10, v7;
	v10 =	vmul.f32 $5.000000000e-01, v13  }
0x8b: {  	v5 =	vld [tilespmem:s17+$0xEAA0];
	v11 =	vmul.f32 $5.000000000e-01, v11;
	v63 =	vmul.f32 $5.000000000e-01, v14;
	v12 =	vadd.f32 v12, v8  }
0x8c: {  	v6 =	vld [tilespmem:s17+$0x111B0];
	[tilespmem:s18+$0x0] =	vst v7;
	v8 =	vadd.f32 v10, v9  }
0x8d: {  	s19 =	simm.s32 $0x80;
	v9 =	vadd.f32 v63, v11;
	v7 =	vld [tilespmem:s17+$0x0];
	[tilespmem:s18+$0x2710] =	vst v12  }
.LBB2_12:
0x8e: {  	p0 =	sne.s32 s19, $0x9C00;
	v10 =	vld [tilespmem:s17+$0x2710];
	[tilespmem:s18+$0x4E20] =	vst v8  }
0x8f: {  	v8 =	vld [tilespmem:s17+$0x4E20];
	[tilespmem:s18+$0x7530] =	vst v9;
	s18 =	smov.u32 s17  }
0x90: {  	v3 =	vmul.f32 v3, v2;
	v4 =	vmul.f32 v4, v2;
	v9 =	vld [tilespmem:s18+$0x7530]  }
0x91: {  	s17 =	sshra.s32 s19, $0x2;
	v5 =	vmul.f32 v5, v2;
	v6 =	vmul.f32 v6, v2  }
0x92: {  	v11 =	vmul.f32 $5.000000000e-01, v3;
	v2 =	vld [tilespmem:s17+$0x13900];
	v7 =	vmul.f32 $5.000000000e-01, v7  }
.Ltmp5:
0x93: {  	v12 =	vmul.f32 $5.000000000e-01, v4;
	v3 =	vld [tilespmem:s17+$0x9C80];
	v10 =	vmul.f32 $5.000000000e-01, v10;
	(pc) =	sbr.rel @p0 .LBB2_12-.Ltmp5, $4  }
0x94: {  	v4 =	vld [tilespmem:s17+$0xC390];
	v7 =	vadd.f32 v11, v7;
	v8 =	vmul.f32 $5.000000000e-01, v8;
	v11 =	vmul.f32 $5.000000000e-01, v5  }
0x95: {  	v5 =	vld [tilespmem:s17+$0xEAA0];
	v10 =	vadd.f32 v12, v10;
	v9 =	vmul.f32 $5.000000000e-01, v9;
	v12 =	vmul.f32 $5.000000000e-01, v6  }
0x96: {  	v6 =	vld [tilespmem:s17+$0x111B0];
	[tilespmem:s18+$0x0] =	vst v7;
	v8 =	vadd.f32 v11, v8  }
0x97: {  	s19 =	sadd.s32 $0x40, s19;
	v7 =	vld [tilespmem:s17+$0x0];
	[tilespmem:s18+$0x2710] =	vst v10;
	v9 =	vadd.f32 v12, v9  }
0x98: {  	v10 =	vld [tilespmem:s17+$0x2710];
	[tilespmem:s18+$0x4E20] =	vst v8  }
0x99: {  	v3 =	vmul.f32 v3, v2;
	v8 =	vld [tilespmem:s17+$0x4E20];
	[tilespmem:s18+$0x7530] =	vst v9  }
0x9a: {  	v4 =	vmul.f32 v4, v2;
	v9 =	vld [tilespmem:s17+$0x7530]  }
0x9b: {  	v5 =	vmul.f32 v5, v2;
	v3 =	vmul.f32 $5.000000000e-01, v3  }
0x9c: {  	v2 =	vmul.f32 v6, v2;
	v60 =	vmul.f32 $5.000000000e-01, v7  }
0x9d: {  	v4 =	vmul.f32 $5.000000000e-01, v4;
	v61 =	vmul.f32 $5.000000000e-01, v10  }
0x9e: {  	v5 =	vmul.f32 $5.000000000e-01, v5;
	v3 =	vadd.f32 v3, v60;
	v62 =	vmul.f32 $5.000000000e-01, v8  }
0x9f: {  	v2 =	vmul.f32 $5.000000000e-01, v2;
	v4 =	vadd.f32 v4, v61;
	v63 =	vmul.f32 $5.000000000e-01, v9  }
0xa0: {  	[tilespmem:s17+$0x0] =	vst v3;
	v3 =	vadd.f32 v5, v62  }
0xa1: {  	[tilespmem:s17+$0x2710] =	vst v4;
	v2 =	vadd.f32 v2, v63  }
0xa2: {  	[tilespmem:s17+$0x4E20] =	vst v3  }
0xa3: {  	s19 =	simm.s32 $0x0;
	s18 =	simm.s32 $0x40;
	[tilespmem:s17+$0x7530] =	vst v2;
	s17 =	simm.s32 $0x0  }
.LBB2_14:
0xa4: {  	p0 =	sne.s32 s18, $0x270C0;
	[tilespmem:s19+$0x9C80] =	vst v0;
	s19 =	smov.u32 s18;
	s18 =	sadd.s32 $0x40, s18  }
.Ltmp6:
0xa5: {  	(pc) =	sbr.rel @p0 .LBB2_14-.Ltmp6, $2  }
0xa6: {  	_ =	sdelay $0x2  }
0xa7: {  	s19 =	sshra.s32 s19, $0x2  }
0xa8: {  	[tilespmem:s19+$0x9C80] =	vst v0  }
.LBB2_16:
0xa9: {  	s18 =	smul.u32 $0x3E8, s17;
	_ =	sdelay $0x1  }
0xaa: {  	s20 =	simm.s32 $0x0;
	s19 =	sadd.s32 s4, s18  }
0xab: {  	[tilespmem:s10], [sflag:$0x1] =	stream.linear.gather [hbm4b:s19+s20], $0x1F40, $0x38;
	[tilespmem:$0x1BF00] =	vst v63  }
0xac: {  	s31 =	sadd.s32 s2, s18  }
0xad: {  	[tilespmem:s11], [sflag:$0x1] =	stream.linear.gather [hbm4b:s31+s20], $0x1F40, $0x38;
	[tilespmem:$0x1BF00] =	vst v63  }
0xae: {  	s18 =	sadd.s32 s5, s18  }
0xaf: {  	[tilespmem:s12], [sflag:$0x1] =	stream.linear.gather [hbm4b:s18+s20], $0x1F40, $0x38;
	[tilespmem:$0x1BF00] =	vst v63  }
0xb0: {  	_ =	swait.ge [sflag:s13], $0x1F40  }
0xb1: {  	[sflag:s13] =	ssyncset.done $0x0  }
0xb2: {  	[sflag:s13] =	ssyncadd.s32 $0xFFFFE0C0  }
0xb3: {  	_ =	swait.ge [sflag:s13], $0x1F40  }
0xb4: {  	[sflag:s13] =	ssyncset.done $0x0  }
0xb5: {  	[sflag:s13] =	ssyncadd.s32 $0xFFFFE0C0  }
0xb6: {  	_ =	swait.ge [sflag:s13], $0x1F40  }
0xb7: {  	[sflag:s13] =	ssyncset.done $0x0  }
0xb8: {  	s19 =	simm.s32 $0x0;
	s18 =	simm.s32 $0x40;
	[sflag:s13] =	ssyncadd.s32 $0xFFFFE0C0  }
.LBB2_17:
0xb9: {  	p0 =	sne.s32 s18, $0x7CC0;
	v2 =	vld [tilespmem:s19+$0x16080]  }
0xba: {  	v3 =	vld [tilespmem:s19+$0x18000]  }
0xbb: {  	v4 =	vld [tilespmem:s19+$0x19F80];
	_ =	sdelay $0x5  }
0xbc: {  	v5 =	vld.idx.msk [tilespmem:v2+s3+$0x0], $0xffff;
	_ =	sdelay $0x3  }
0xbd: {  	v6 =	vadd.s32 $0x2710, v2;
	_ =	sdelay $0x1  }
0xbe: {  	v5 =	vmul.f32 v5, v4;
	_ =	sdelay $0x1  }
0xbf: {  	[tilespmem:v3+s14+$0x0] =	vst.idx.add.f32.msk $0xffff, v5  }
0xc0: {  	v5 =	vld.idx.msk [tilespmem:v6+s3+$0x0], $0xffff;
	_ =	sdelay $0x2  }
0xc1: {  	v6 =	vadd.s32 $0x2710, v3  }
0xc2: {  	v7 =	vadd.s32 $0x4E20, v2;
	_ =	sdelay $0x1  }
0xc3: {  	v5 =	vmul.f32 v5, v4;
	_ =	sdelay $0x1  }
0xc4: {  	[tilespmem:v6+s14+$0x0] =	vst.idx.add.f32.msk $0xffff, v5  }
0xc5: {  	v5 =	vld.idx.msk [tilespmem:v7+s3+$0x0], $0xffff;
	_ =	sdelay $0x2  }
0xc6: {  	v6 =	vadd.s32 $0x4E20, v3  }
0xc7: {  	v2 =	vadd.s32 $0x7530, v2;
	_ =	sdelay $0x1  }
0xc8: {  	v5 =	vmul.f32 v5, v4;
	_ =	sdelay $0x1  }
0xc9: {  	[tilespmem:v6+s14+$0x0] =	vst.idx.add.f32.msk $0xffff, v5  }
0xca: {  	v2 =	vld.idx.msk [tilespmem:v2+s3+$0x0], $0xffff;
	_ =	sdelay $0x2  }
0xcb: {  	v3 =	vadd.s32 $0x7530, v3  }
.Ltmp7:
0xcc: {  	(pc) =	sbr.rel @p0 .LBB2_17-.Ltmp7, $3  }
0xcd: {  	_ = 	snop  }
0xce: {  	v2 =	vmul.f32 v2, v4;
	_ =	sdelay $0x1  }
0xcf: {  	s19 =	sshra.s32 s18, $0x2;
	s18 =	sadd.s32 $0x40, s18;
	[tilespmem:v3+s14+$0x0] =	vst.idx.add.f32.msk $0xffff, v2  }
0xd0: {  	v2 =	vld [tilespmem:s19+$0x16080];
	_ =	sdelay $0x5  }
0xd1: {  	v3 =	vld [tilespmem:s19+$0x18000]  }
0xd2: {  	v4 =	vld [tilespmem:s19+$0x19F80]  }
0xd3: {  	v5 =	vld.idx.msk [tilespmem:v2+s3+$0x0], $0xffff;
	_ =	sdelay $0x2  }
0xd4: {  	v6 =	vadd.s32 $0x2710, v2;
	_ =	sdelay $0x1  }
0xd5: {  	v5 =	vmul.f32 v5, v4;
	_ =	sdelay $0x1  }
0xd6: {  	[tilespmem:v3+s14+$0x0] =	vst.idx.add.f32.msk $0xffff, v5  }
0xd7: {  	v5 =	vld.idx.msk [tilespmem:v6+s3+$0x0], $0xffff;
	_ =	sdelay $0x1  }
0xd8: {  	v62 =	vadd.s32 $0x2710, v3  }
0xd9: {  	v7 =	vadd.s32 $0x4E20, v2;
	_ =	sdelay $0x1  }
0xda: {  	v5 =	vmul.f32 v5, v4;
	_ =	sdelay $0x1  }
0xdb: {  	[tilespmem:v62+s14+$0x0] =	vst.idx.add.f32.msk $0xffff, v5  }
0xdc: {  	v5 =	vld.idx.msk [tilespmem:v7+s3+$0x0], $0xffff;
	_ =	sdelay $0x1  }
0xdd: {  	v63 =	vadd.s32 $0x4E20, v3  }
0xde: {  	v2 =	vadd.s32 $0x7530, v2;
	_ =	sdelay $0x1  }
0xdf: {  	v5 =	vmul.f32 v5, v4;
	_ =	sdelay $0x1  }
0xe0: {  	[tilespmem:v63+s14+$0x0] =	vst.idx.add.f32.msk $0xffff, v5  }
0xe1: {  	v2 =	vld.idx.msk [tilespmem:v2+s3+$0x0], $0xffff  }
0xe2: {  	s17 =	sadd.s32 $0x1, s17  }
0xe3: {  	p0 =	sne.s32 s17, $0x28;
	v3 =	vadd.s32 $0x7530, v3  }
.Ltmp8:
0xe4: {  	_ = 	snop;
	(pc) =	sbr.rel @p0 .LBB2_16-.Ltmp8, $3  }
0xe5: {  	_ = 	snop  }
0xe6: {  	v2 =	vmul.f32 v2, v4;
	_ =	sdelay $0x1  }
0xe7: {  	[tilespmem:v3+s14+$0x0] =	vst.idx.add.f32.msk $0xffff, v2  }
0xe8: {  	s18 =	simm.s32 $0x0  }
0xe9: {  	v4 =	vld [tilespmem:s18+$0x13900]  }
0xea: {  	v2 =	vld [tilespmem:s18+$0x9C80]  }
0xeb: {  	v3 =	vld [tilespmem:s18+$0xC390]  }
0xec: {  	v5 =	vld [tilespmem:s18+$0xEAA0]  }
0xed: {  	v7 =	vld [tilespmem:s18+$0x0]  }
0xee: {  	v6 =	vld [tilespmem:s18+$0x111B0]  }
0xef: {  	v8 =	vld [tilespmem:s18+$0x2710]  }
0xf0: {  	v9 =	vld [tilespmem:s18+$0x4E20]  }
0xf1: {  	v11 =	vld [tilespmem:s18+$0x7530];
	v10 =	vmul.f32 v2, v4;
	v12 =	vmul.f32 v3, v4  }
0xf2: {  	s17 =	simm.s32 $0x10;
	v7 =	vmul.f32 $5.000000000e-01, v7;
	v13 =	vmul.f32 v5, v4  }
0xf3: {  	v2 =	vld [tilespmem:s17+$0x13900];
	v14 =	vmul.f32 v6, v4;
	v10 =	vmul.f32 $5.000000000e-01, v10  }
0xf4: {  	v3 =	vld [tilespmem:s17+$0x9C80];
	v8 =	vmul.f32 $5.000000000e-01, v8;
	v12 =	vmul.f32 $5.000000000e-01, v12  }
0xf5: {  	v4 =	vld [tilespmem:s17+$0xC390];
	v9 =	vmul.f32 $5.000000000e-01, v9;
	v7 =	vadd.f32 v10, v7;
	v10 =	vmul.f32 $5.000000000e-01, v13  }
0xf6: {  	v5 =	vld [tilespmem:s17+$0xEAA0];
	v11 =	vmul.f32 $5.000000000e-01, v11;
	v63 =	vmul.f32 $5.000000000e-01, v14;
	v12 =	vadd.f32 v12, v8  }
0xf7: {  	v6 =	vld [tilespmem:s17+$0x111B0];
	[tilespmem:s18+$0x0] =	vst v7;
	v8 =	vadd.f32 v10, v9  }
0xf8: {  	s19 =	simm.s32 $0x80;
	v9 =	vadd.f32 v63, v11;
	v7 =	vld [tilespmem:s17+$0x0];
	[tilespmem:s18+$0x2710] =	vst v12  }
.LBB2_20:
0xf9: {  	p0 =	sne.s32 s19, $0x9C00;
	v10 =	vld [tilespmem:s17+$0x2710];
	[tilespmem:s18+$0x4E20] =	vst v8  }
0xfa: {  	v8 =	vld [tilespmem:s17+$0x4E20];
	[tilespmem:s18+$0x7530] =	vst v9;
	s18 =	smov.u32 s17  }
0xfb: {  	v3 =	vmul.f32 v3, v2;
	v4 =	vmul.f32 v4, v2;
	v9 =	vld [tilespmem:s18+$0x7530]  }
0xfc: {  	s17 =	sshra.s32 s19, $0x2;
	v5 =	vmul.f32 v5, v2;
	v6 =	vmul.f32 v6, v2  }
0xfd: {  	v11 =	vmul.f32 $5.000000000e-01, v3;
	v2 =	vld [tilespmem:s17+$0x13900];
	v7 =	vmul.f32 $5.000000000e-01, v7  }
.Ltmp9:
0xfe: {  	v12 =	vmul.f32 $5.000000000e-01, v4;
	v3 =	vld [tilespmem:s17+$0x9C80];
	v10 =	vmul.f32 $5.000000000e-01, v10;
	(pc) =	sbr.rel @p0 .LBB2_20-.Ltmp9, $4  }
0xff: {  	v4 =	vld [tilespmem:s17+$0xC390];
	v7 =	vadd.f32 v11, v7;
	v8 =	vmul.f32 $5.000000000e-01, v8;
	v11 =	vmul.f32 $5.000000000e-01, v5  }
0x100: {  	v5 =	vld [tilespmem:s17+$0xEAA0];
	v10 =	vadd.f32 v12, v10;
	v9 =	vmul.f32 $5.000000000e-01, v9;
	v12 =	vmul.f32 $5.000000000e-01, v6  }
0x101: {  	v6 =	vld [tilespmem:s17+$0x111B0];
	[tilespmem:s18+$0x0] =	vst v7;
	v8 =	vadd.f32 v11, v8  }
0x102: {  	s19 =	sadd.s32 $0x40, s19;
	v7 =	vld [tilespmem:s17+$0x0];
	[tilespmem:s18+$0x2710] =	vst v10;
	v9 =	vadd.f32 v12, v9  }
0x103: {  	v10 =	vld [tilespmem:s17+$0x2710];
	[tilespmem:s18+$0x4E20] =	vst v8  }
0x104: {  	v3 =	vmul.f32 v3, v2;
	v8 =	vld [tilespmem:s17+$0x4E20];
	[tilespmem:s18+$0x7530] =	vst v9  }
0x105: {  	v4 =	vmul.f32 v4, v2;
	v9 =	vld [tilespmem:s17+$0x7530]  }
0x106: {  	v5 =	vmul.f32 v5, v2;
	v3 =	vmul.f32 $5.000000000e-01, v3  }
0x107: {  	v2 =	vmul.f32 v6, v2;
	v60 =	vmul.f32 $5.000000000e-01, v7  }
0x108: {  	v4 =	vmul.f32 $5.000000000e-01, v4;
	v61 =	vmul.f32 $5.000000000e-01, v10  }
0x109: {  	v5 =	vmul.f32 $5.000000000e-01, v5;
	v3 =	vadd.f32 v3, v60;
	v62 =	vmul.f32 $5.000000000e-01, v8  }
0x10a: {  	v2 =	vmul.f32 $5.000000000e-01, v2;
	v4 =	vadd.f32 v4, v61;
	v63 =	vmul.f32 $5.000000000e-01, v9  }
0x10b: {  	[tilespmem:s17+$0x0] =	vst v3;
	v3 =	vadd.f32 v5, v62  }
0x10c: {  	s16 =	sadd.s32 $0x1, s16;
	[tilespmem:s17+$0x2710] =	vst v4;
	v2 =	vadd.f32 v2, v63  }
0x10d: {  	p0 =	sne.s32 s16, s8;
	[tilespmem:s17+$0x4E20] =	vst v3  }
.Ltmp10:
0x10e: {  	[tilespmem:s17+$0x7530] =	vst v2;
	(pc) =	sbr.rel @p0 .LBB2_1-.Ltmp10, $4  }
0x10f: {  	[hbm4b:s7+s3] =	stream.linear.scatter [tilespmem:s3], [sflag:$0x2], $0x9C40, $0x38;
	[tilespmem:$0x1BF00] =	vst v63  }
0x110: {  	_ =	swait.ge [sflag:s9], $0x9C40  }
0x111: {  	[sflag:s9] =	ssyncset.done $0x0  }
0x112: {  	[sflag:s9] =	ssyncadd.s32 $0xFFFF63C0  }
0x113: {  	_ =	sfence.sel $0x180000  }
0x114: {  	[bflag:$0x0] =	sbarrier.arrive $0xFFFF  }
0x115: {  	p0 =	sne.s32 s0, $0x0;
	_ =	strace $0x90000047  }
0x116: {  	s0 =	sadd.s32 @!p0 $0x100000, s1;
	[bflag:$0x2] =	sbarrier.arrive $0xFFFF  }
0x117: {  	[sflag:s0] =	ssyncadd.tile.s32 @!p0 $0x1;
	_ =	shalt  }
.Lfunc_end2:
_tile_overlayer_lowered:
.L_overlay_start_2:
0x118: {  	(tag) =	ssettag $0x2  }
0x119: {  	s0 =	rddreg [dreg:$0x0];
	s2 =	stileid.u32  }
0x11a: {  	s1 =	rddreg [dreg:$0x1];
	p0 =	sne.s32 s2, $0x0  }
0x11b: {  	s3 =	rddreg [dreg:$0x2];
	[bflag:$0x3] =	sbarrier.arrive $0xFFFF;
	s2 =	simm.s32 @!p0 $0x1C02  }
0x11c: {  	[timem:s3], [sflag:s2] =	dma.local @!p0 [hbm:s0], s1  }
0x11d: {  	s0 =	simm.s32 @!p0 $0x2  }
0x11e: {  	_ =	swait.ge @!p0 [sflag:s0], s1  }
0x11f: {  	s1 =	ssub.s32 @!p0 $0x0, s1;
	[sflag:s0] =	ssyncset.done @!p0 $0x0  }
0x120: {  	[sflag:s0] =	ssyncadd.s32 @!p0 s1  }
0x121: {  	[bflag:$0x3] =	sbarrier.arrive $0xFFFF  }
0x122: {  	_ =	shalt  }

</sc_bundles>
